<compile_context>
chip_gen: v7x
topology: tpu7x:2x2x1
jax: 0.10.2.dev20260603
libtpu: 0.0.44.dev20260713+nightly
codegen_flags: <defaults>
</compile_context>

<pallas_src>
import functools

import jax
import jax.numpy as jnp
from jax import lax
from jax.experimental import pallas as pl
from jax.experimental.pallas import tpu as pltpu
from jax.experimental.pallas import tpu_sc as plsc

B = 4
N = 2048
L = 16
NW = 32
K = 1024
QPW = (B * K) // NW
QG = 8


def _sc_body(pred_hbm, gt_hbm, out_hbm, qv, refv, r2h, outv):
    cid = lax.axis_index("c")
    sid = lax.axis_index("s")
    wid = cid * 16 + sid
    batch = wid // 8
    pos = wid % 8

    pltpu.sync_copy(pred_hbm.at[batch], refv)
    pltpu.sync_copy(gt_hbm.at[batch], qv)

    def r2_body(j, _):
        off = pl.multiple_of(j * L, L)
        rx = refv[0, pl.ds(off, L)]
        ry = refv[1, pl.ds(off, L)]
        rz = refv[2, pl.ds(off, L)]
        r2h[pl.ds(off, L)] = 0.5 * (rx * rx + ry * ry + rz * rz)
        return 0

    lax.fori_loop(0, N // L, r2_body, 0, unroll=2)

    big = jnp.float32(3e38)
    mask0 = lax.iota(jnp.int32, L) == 0

    def group_body(g, _):
        qb = pos * QPW + g * QG
        nqx, nqy, nqz, q2 = [], [], [], []
        for u in range(QG):
            qi = jnp.full((L,), qb + u, jnp.int32)
            xs = plsc.load_gather(qv, [jnp.zeros((L,), jnp.int32), qi])
            ys = plsc.load_gather(qv, [jnp.ones((L,), jnp.int32), qi])
            zs = plsc.load_gather(qv, [jnp.full((L,), 2, jnp.int32), qi])
            nqx.append(-xs)
            nqy.append(-ys)
            nqz.append(-zs)
            q2.append(xs * xs + ys * ys + zs * zs)

        @plsc.parallel_loop(
            0, N // L, unroll=2, carry=tuple([jnp.full((L,), big)] * QG)
        )
        def accs(j, accs_in):
            off = pl.multiple_of(j * L, L)
            rx = refv[0, pl.ds(off, L)]
            ry = refv[1, pl.ds(off, L)]
            rz = refv[2, pl.ds(off, L)]
            rh = r2h[pl.ds(off, L)]
            out = []
            for u in range(QG):
                t = nqx[u] * rx + rh
                t = nqy[u] * ry + t
                t = nqz[u] * rz + t
                out.append(jnp.minimum(accs_in[u], t))
            return tuple(out)

        for u in range(QG):
            zsq = jnp.maximum(accs[u] + accs[u] + q2[u], 0.0)
            zmin = lax.reduce_min(zsq, (0,))
            plsc.store_scatter(
                outv,
                [jnp.full((L,), g * QG + u, jnp.int32)],
                jnp.full((L,), zmin),
                mask=mask0,
            )
        return 0

    lax.fori_loop(0, QPW // QG, group_body, 0)

    obase = batch * K + pos * QPW
    pltpu.sync_copy(outv, out_hbm.at[pl.ds(obase, QPW)])


_sc_minsq = functools.partial(
    pl.kernel,
    out_type=jax.ShapeDtypeStruct((B * K,), jnp.float32),
    mesh=plsc.VectorSubcoreMesh(core_axis_name="c", subcore_axis_name="s"),
    compiler_params=pltpu.CompilerParams(
        use_tc_tiling_on_sc=False, needs_layout_passes=False
    ),
    scratch_types=[
        pltpu.VMEM((3, N), jnp.float32),
        pltpu.VMEM((3, N), jnp.float32),
        pltpu.VMEM((N,), jnp.float32),
        pltpu.VMEM((QPW,), jnp.float32),
    ],
)(_sc_body)


QT = 1024


def _tc_nn_body(q_ref, r_ref, o_ref):
    b = pl.program_id(0)
    t = pl.program_id(1)
    qt = jnp.transpose(q_ref[0], (1, 0))
    r = r_ref[0]
    rx = r[0:1, :]
    ry = r[1:2, :]
    rz = r[2:3, :]
    acc = rx * rx + ry * ry + rz * rz
    acc = acc + (-2.0 * qt[:, 0:1]) * rx
    acc = acc + (-2.0 * qt[:, 1:2]) * ry
    acc = acc + (-2.0 * qt[:, 2:3]) * rz
    m = jnp.min(acc, axis=1)
    q2 = jnp.sum(qt * qt, axis=1)
    z = jnp.sqrt(jnp.maximum(m + q2, 0.0))
    s = jnp.sum(z) * jnp.float32(1.0 / (B * N))

    @pl.when(jnp.logical_and(b == 0, t == 0))
    def _():
        o_ref[0, 0] = 0.0

    o_ref[0, 0] += s


def _tc_nn_sum(queries, refs, q_start=0):
    nq = queries.shape[2] - q_start
    toff = q_start // QT
    return pl.pallas_call(
        _tc_nn_body,
        grid=(B, nq // QT),
        in_specs=[
            pl.BlockSpec((1, 3, QT), lambda b, t: (b, 0, t + toff)),
            pl.BlockSpec((1, 3, N), lambda b, t: (b, 0, 0)),
        ],
        out_specs=pl.BlockSpec(memory_space=pltpu.SMEM),
        out_shape=jax.ShapeDtypeStruct((1, 1), jnp.float32),
    )(queries, refs)


def _tc_sqrtsum_body(x_ref, o_ref):
    x = x_ref[...]
    z = jnp.sqrt(jnp.maximum(x, 0.0))
    o_ref[0, 0] = jnp.sum(z) * jnp.float32(1.0 / (B * N))


def kernel(predict_pc, gt_pc):
    minsq = _sc_minsq(
        predict_pc, gt_pc
    )

    t2 = _tc_nn_sum(predict_pc, gt_pc)
    t1b = _tc_nn_sum(gt_pc, predict_pc, q_start=K)

    t1a = pl.pallas_call(
        _tc_sqrtsum_body,
        out_shape=jax.ShapeDtypeStruct((1, 1), jnp.float32),
        out_specs=pl.BlockSpec(memory_space=pltpu.SMEM),
    )(minsq.reshape(16, 256))

    return t1a[0, 0] + t1b[0, 0] + t2[0, 0]

# --- scband reference (transcript-rebuilt; emitter-appended) ---
"""Pipeline reference for scband-chamfer-loss-distance-26259430047858 (READ-ONLY COPY).

The authoritative reference and input builder live on the scoring server;
editing this copy changes nothing except your own understanding.
"""

import jax, jax.numpy as jnp
import numpy as np

NUM_POINTS = 2048


def setup_inputs(seed: int = 0) -> dict:
    key = jax.random.key(seed)
    k1, k2 = jax.random.split(key)
    predict_pc = jax.random.normal(k1, (4, 3, 2048), dtype=jnp.float32)
    gt_pc = jax.random.normal(k2, (4, 3, 2048), dtype=jnp.float32)
    return {"predict_pc": predict_pc, "gt_pc": gt_pc}


def reference(predict_pc, gt_pc):
    # gt_pc: [B, C, Ng]; predict_pc: [B, C, Np]
    # diff1: [B, C, Np, Ng]
    diff1 = gt_pc[:, :, None, :] - predict_pc[:, :, :, None]
    d1 = jnp.linalg.norm(diff1, axis=1)  # [B, Np, Ng]
    z = jnp.min(d1, axis=-2)  # min over predict points -> [B, Ng]
    loss = jnp.sum(z) / (gt_pc.shape[0] * NUM_POINTS)
    # diff2: [B, C, Ng, Np]
    diff2 = predict_pc[:, :, None, :] - gt_pc[:, :, :, None]
    d2 = jnp.linalg.norm(diff2, axis=1)  # [B, Ng, Np]
    z2 = jnp.min(d2, axis=-2)  # min over gt points -> [B, Np]
    loss = loss + jnp.sum(z2) / (gt_pc.shape[0] * NUM_POINTS)
    return loss

if __name__ == "__main__":
    import jax
    _d = setup_inputs()
    print(jax.jit(kernel)(*tuple(_d.values())))

</pallas_src>

<mosaic_0001>
#map = affine_map<(d0, d1) -> (0, 0, 0)>
#map1 = affine_map<(d0, d1) -> (0)>
module attributes {stable_mosaic.version = 14 : i64} {
  func.func @_sc_body(%arg0: i32, %arg1: i32, %arg2: memref<4x3x2048xf32, #tpu.memory_space<hbm>>, %arg3: memref<4x3x2048xf32, #tpu.memory_space<hbm>>, %arg4: memref<4096xf32, #tpu.memory_space<hbm>>, %arg5: memref<3x2048xf32, #tpu.memory_space<vmem>>, %arg6: memref<3x2048xf32, #tpu.memory_space<vmem>>, %arg7: memref<2048xf32, #tpu.memory_space<vmem>>, %arg8: memref<128xf32, #tpu.memory_space<vmem>>) attributes {dimension_semantics = [#tpu.dimension_semantics<core_parallel>, #tpu.dimension_semantics<subcore_parallel>], iteration_bounds = array<i64: 2, 16>, scalar_prefetch = 0 : i64, scratch_operands = 4 : i64, tpu.core_type = #tpu.core_type<sc_vector_subcore>, window_params = [{transform_indices = #map}, {transform_indices = #map}, {transform_indices = #map1}]} {
    %mul3A = arith.constant 16 : i32
    %mul3A_0 = arith.muli %arg0, %mul3A : i32
    %add3A = arith.addi %mul3A_0, %arg1 : i32
    %jit3A = arith.constant 8 : i32
    %div3A = arith.divsi %add3A, %jit3A : i32
    %sign3A = arith.constant 0 : i32
    %sign3A_1 = arith.cmpi sgt, %add3A, %sign3A : i32
    %sign3A_2 = arith.extui %sign3A_1 : i1 to i32
    %sign3A_3 = arith.constant 0 : i32
    %sign3A_4 = arith.cmpi slt, %add3A, %sign3A_3 : i32
    %sign3A_5 = arith.extui %sign3A_4 : i1 to i32
    %sign3A_6 = arith.subi %sign3A_2, %sign3A_5 : i32
    %sign3A_7 = arith.constant 0 : i32
    %sign3A_8 = arith.cmpi sgt, %jit3A, %sign3A_7 : i32
    %sign3A_9 = arith.extui %sign3A_8 : i1 to i32
    %sign3A_10 = arith.constant 0 : i32
    %sign3A_11 = arith.cmpi slt, %jit3A, %sign3A_10 : i32
    %sign3A_12 = arith.extui %sign3A_11 : i1 to i32
    %sign3A_13 = arith.subi %sign3A_9, %sign3A_12 : i32
    %ne3A = arith.cmpi ne, %sign3A_6, %sign3A_13 : i32
    %rem3A = arith.remsi %add3A, %jit3A : i32
    %ne3A_14 = arith.constant 0 : i32
    %ne3A_15 = arith.cmpi ne, %rem3A, %ne3A_14 : i32
    %and3A = arith.andi %ne3A, %ne3A_15 : i1
    %sub3A = arith.constant 1 : i32
    %sub3A_16 = arith.subi %div3A, %sub3A : i32
    %select_n3A = arith.select %and3A, %sub3A_16, %div3A : i32
    %jit3A_17 = arith.constant 8 : i32
    %eq3A = arith.constant 0 : i32
    %eq3A_18 = arith.cmpi eq, %jit3A_17, %eq3A : i32
    %jit3A_19 = arith.constant 1 : i32
    %select_n3A_20 = arith.select %eq3A_18, %jit3A_19, %jit3A_17 : i32
    %rem3A_21 = arith.remsi %add3A, %select_n3A_20 : i32
    %ne3A_22 = arith.constant 0 : i32
    %ne3A_23 = arith.cmpi ne, %rem3A_21, %ne3A_22 : i32
    %lt3A = arith.constant 0 : i32
    %lt3A_24 = arith.cmpi slt, %rem3A_21, %lt3A : i32
    %lt3A_25 = arith.constant 0 : i32
    %lt3A_26 = arith.cmpi slt, %select_n3A_20, %lt3A_25 : i32
    %ne3A_27 = arith.xori %lt3A_24, %lt3A_26 : i1
    %and3A_28 = arith.andi %ne3A_27, %ne3A_23 : i1
    %add3A_29 = arith.addi %rem3A_21, %select_n3A_20 : i32
    %select_n3A_30 = arith.select %and3A_28, %add3A_29, %rem3A_21 : i32
    "tpu.region"() ({
      %run_scoped3A = tpu.sem_alloc : memref<!tpu.dma_semaphore, #tpu.memory_space<semaphore_mem>>
      %dma_start3A = arith.constant 0 : i32
      %dma_start3A_53 = arith.constant 0 : i32
      %dma_start3A_54 = tpu.memref_slice %arg2[%select_n3A, %dma_start3A, %dma_start3A_53] : memref<4x3x2048xf32, #tpu.memory_space<hbm>> -> memref<1x3x2048xf32, #tpu.memory_space<hbm>>
      %dma_start3A_55 = tpu.memref_squeeze %dma_start3A_54 : memref<1x3x2048xf32, #tpu.memory_space<hbm>> -> memref<3x2048xf32, #tpu.memory_space<hbm>>
      %dma_start3A_56 = arith.constant 0 : i32
      %dma_start3A_57 = arith.constant 0 : i32
      %dma_start3A_58 = tpu.memref_slice %arg2[%select_n3A, %dma_start3A_56, %dma_start3A_57] : memref<4x3x2048xf32, #tpu.memory_space<hbm>> -> memref<1x3x2048xf32, #tpu.memory_space<hbm>>
      %dma_start3A_59 = tpu.memref_squeeze %dma_start3A_58 : memref<1x3x2048xf32, #tpu.memory_space<hbm>> -> memref<3x2048xf32, #tpu.memory_space<hbm>>
      tpu.enqueue_dma source(%dma_start3A_59 : memref<3x2048xf32, #tpu.memory_space<hbm>>) target(%arg6 : memref<3x2048xf32, #tpu.memory_space<vmem>>) target_semaphore(%run_scoped3A : memref<!tpu.dma_semaphore, #tpu.memory_space<semaphore_mem>>)
      %dma_wait3A = arith.constant 0 : i32
      %dma_wait3A_60 = arith.constant 0 : i32
      %dma_wait3A_61 = tpu.memref_slice %arg2[%select_n3A, %dma_wait3A, %dma_wait3A_60] : memref<4x3x2048xf32, #tpu.memory_space<hbm>> -> memref<1x3x2048xf32, #tpu.memory_space<hbm>>
      %dma_wait3A_62 = tpu.memref_squeeze %dma_wait3A_61 : memref<1x3x2048xf32, #tpu.memory_space<hbm>> -> memref<3x2048xf32, #tpu.memory_space<hbm>>
      %dma_wait3A_63 = arith.constant 0 : i32
      %dma_wait3A_64 = arith.constant 0 : i32
      %dma_wait3A_65 = tpu.memref_slice %arg2[%select_n3A, %dma_wait3A_63, %dma_wait3A_64] : memref<4x3x2048xf32, #tpu.memory_space<hbm>> -> memref<1x3x2048xf32, #tpu.memory_space<hbm>>
      %dma_wait3A_66 = tpu.memref_squeeze %dma_wait3A_65 : memref<1x3x2048xf32, #tpu.memory_space<hbm>> -> memref<3x2048xf32, #tpu.memory_space<hbm>>
      tpu.wait_dma2 semaphore(%run_scoped3A : memref<!tpu.dma_semaphore, #tpu.memory_space<semaphore_mem>>) src(%dma_wait3A_66 : memref<3x2048xf32, #tpu.memory_space<hbm>>) dst(%arg6 : memref<3x2048xf32, #tpu.memory_space<vmem>>)
      tpu.yield
    }) : () -> ()
    "tpu.region"() ({
      %run_scoped3A = tpu.sem_alloc : memref<!tpu.dma_semaphore, #tpu.memory_space<semaphore_mem>>
      %dma_start3A = arith.constant 0 : i32
      %dma_start3A_53 = arith.constant 0 : i32
      %dma_start3A_54 = tpu.memref_slice %arg3[%select_n3A, %dma_start3A, %dma_start3A_53] : memref<4x3x2048xf32, #tpu.memory_space<hbm>> -> memref<1x3x2048xf32, #tpu.memory_space<hbm>>
      %dma_start3A_55 = tpu.memref_squeeze %dma_start3A_54 : memref<1x3x2048xf32, #tpu.memory_space<hbm>> -> memref<3x2048xf32, #tpu.memory_space<hbm>>
      %dma_start3A_56 = arith.constant 0 : i32
      %dma_start3A_57 = arith.constant 0 : i32
      %dma_start3A_58 = tpu.memref_slice %arg3[%select_n3A, %dma_start3A_56, %dma_start3A_57] : memref<4x3x2048xf32, #tpu.memory_space<hbm>> -> memref<1x3x2048xf32, #tpu.memory_space<hbm>>
      %dma_start3A_59 = tpu.memref_squeeze %dma_start3A_58 : memref<1x3x2048xf32, #tpu.memory_space<hbm>> -> memref<3x2048xf32, #tpu.memory_space<hbm>>
      tpu.enqueue_dma source(%dma_start3A_59 : memref<3x2048xf32, #tpu.memory_space<hbm>>) target(%arg5 : memref<3x2048xf32, #tpu.memory_space<vmem>>) target_semaphore(%run_scoped3A : memref<!tpu.dma_semaphore, #tpu.memory_space<semaphore_mem>>)
      %dma_wait3A = arith.constant 0 : i32
      %dma_wait3A_60 = arith.constant 0 : i32
      %dma_wait3A_61 = tpu.memref_slice %arg3[%select_n3A, %dma_wait3A, %dma_wait3A_60] : memref<4x3x2048xf32, #tpu.memory_space<hbm>> -> memref<1x3x2048xf32, #tpu.memory_space<hbm>>
      %dma_wait3A_62 = tpu.memref_squeeze %dma_wait3A_61 : memref<1x3x2048xf32, #tpu.memory_space<hbm>> -> memref<3x2048xf32, #tpu.memory_space<hbm>>
      %dma_wait3A_63 = arith.constant 0 : i32
      %dma_wait3A_64 = arith.constant 0 : i32
      %dma_wait3A_65 = tpu.memref_slice %arg3[%select_n3A, %dma_wait3A_63, %dma_wait3A_64] : memref<4x3x2048xf32, #tpu.memory_space<hbm>> -> memref<1x3x2048xf32, #tpu.memory_space<hbm>>
      %dma_wait3A_66 = tpu.memref_squeeze %dma_wait3A_65 : memref<1x3x2048xf32, #tpu.memory_space<hbm>> -> memref<3x2048xf32, #tpu.memory_space<hbm>>
      tpu.wait_dma2 semaphore(%run_scoped3A : memref<!tpu.dma_semaphore, #tpu.memory_space<semaphore_mem>>) src(%dma_wait3A_66 : memref<3x2048xf32, #tpu.memory_space<hbm>>) dst(%arg5 : memref<3x2048xf32, #tpu.memory_space<vmem>>)
      tpu.yield
    }) : () -> ()
    %scan3A = arith.constant 0 : i32
    %scan3A_31 = arith.constant 0 : i32
    %scan3A_32 = arith.constant 128 : i32
    %scan3A_33 = arith.addi %scan3A_31, %scan3A_32 : i32
    %scan3A_34 = arith.constant 2 : i32
    %scan3A_35 = scf.for %scan3A_53 = %scan3A_31 to %scan3A_33 step %scan3A_34 iter_args(%scan3A_54 = %scan3A) -> (i32)  : i32 {
      %mul3A_55 = arith.constant 16 : i32
      %mul3A_56 = arith.muli %scan3A_53, %mul3A_55 : i32
      %multiple_of3A = tpu.assume_multiple %mul3A_56, 16 : i32
      %get3A = arith.constant 0 : i32
      %get3A_57 = arith.index_cast %get3A : i32 to index
      %get3A_58 = arith.index_cast %multiple_of3A : i32 to index
      %get3A_59 = tpu.vector_load %arg6[%get3A_57, %get3A_58] {strides = array<i32>} : memref<3x2048xf32, #tpu.memory_space<vmem>>, vector<16xf32>,
      %get3A_60 = arith.constant 1 : i32
      %get3A_61 = arith.index_cast %get3A_60 : i32 to index
      %get3A_62 = arith.index_cast %multiple_of3A : i32 to index
      %get3A_63 = tpu.vector_load %arg6[%get3A_61, %get3A_62] {strides = array<i32>} : memref<3x2048xf32, #tpu.memory_space<vmem>>, vector<16xf32>,
      %get3A_64 = arith.constant 2 : i32
      %get3A_65 = arith.index_cast %get3A_64 : i32 to index
      %get3A_66 = arith.index_cast %multiple_of3A : i32 to index
      %get3A_67 = tpu.vector_load %arg6[%get3A_65, %get3A_66] {strides = array<i32>} : memref<3x2048xf32, #tpu.memory_space<vmem>>, vector<16xf32>,
      %mul3A_68 = arith.mulf %get3A_59, %get3A_59 : vector<16xf32>
      %mul3A_69 = arith.mulf %get3A_63, %get3A_63 : vector<16xf32>
      %add3A_70 = arith.addf %mul3A_68, %mul3A_69 : vector<16xf32>
      %mul3A_71 = arith.mulf %get3A_67, %get3A_67 : vector<16xf32>
      %add3A_72 = arith.addf %add3A_70, %mul3A_71 : vector<16xf32>
      %mul3A_73 = arith.constant 5.000000e-01 : f32
      %mul3A_74 = vector.broadcast %mul3A_73 : f32 to vector<16xf32>
      %mul3A_75 = arith.mulf %mul3A_74, %add3A_72 : vector<16xf32>
      %swap3A = arith.index_cast %multiple_of3A : i32 to index
      %swap3A_76 = tpu.vector_load %arg7[%swap3A] {strides = array<i32>} : memref<2048xf32, #tpu.memory_space<vmem>>, vector<16xf32>,
      tpu.vector_store %arg7[%swap3A], %mul3A_75 {strides = array<i32>} : memref<2048xf32, #tpu.memory_space<vmem>>, vector<16xf32>,
      %scan3A_77 = arith.constant 0 : i32
      %scan3A_78 = arith.constant 1 : i32
      %scan3A_79 = arith.addi %scan3A_53, %scan3A_78 : i32
      %mul3A_80 = arith.constant 16 : i32
      %mul3A_81 = arith.muli %scan3A_79, %mul3A_80 : i32
      %multiple_of3A_82 = tpu.assume_multiple %mul3A_81, 16 : i32
      %get3A_83 = arith.constant 0 : i32
      %get3A_84 = arith.index_cast %get3A_83 : i32 to index
      %get3A_85 = arith.index_cast %multiple_of3A_82 : i32 to index
      %get3A_86 = tpu.vector_load %arg6[%get3A_84, %get3A_85] {strides = array<i32>} : memref<3x2048xf32, #tpu.memory_space<vmem>>, vector<16xf32>,
      %get3A_87 = arith.constant 1 : i32
      %get3A_88 = arith.index_cast %get3A_87 : i32 to index
      %get3A_89 = arith.index_cast %multiple_of3A_82 : i32 to index
      %get3A_90 = tpu.vector_load %arg6[%get3A_88, %get3A_89] {strides = array<i32>} : memref<3x2048xf32, #tpu.memory_space<vmem>>, vector<16xf32>,
      %get3A_91 = arith.constant 2 : i32
      %get3A_92 = arith.index_cast %get3A_91 : i32 to index
      %get3A_93 = arith.index_cast %multiple_of3A_82 : i32 to index
      %get3A_94 = tpu.vector_load %arg6[%get3A_92, %get3A_93] {strides = array<i32>} : memref<3x2048xf32, #tpu.memory_space<vmem>>, vector<16xf32>,
      %mul3A_95 = arith.mulf %get3A_86, %get3A_86 : vector<16xf32>
      %mul3A_96 = arith.mulf %get3A_90, %get3A_90 : vector<16xf32>
      %add3A_97 = arith.addf %mul3A_95, %mul3A_96 : vector<16xf32>
      %mul3A_98 = arith.mulf %get3A_94, %get3A_94 : vector<16xf32>
      %add3A_99 = arith.addf %add3A_97, %mul3A_98 : vector<16xf32>
      %mul3A_100 = arith.constant 5.000000e-01 : f32
      %mul3A_101 = vector.broadcast %mul3A_100 : f32 to vector<16xf32>
      %mul3A_102 = arith.mulf %mul3A_101, %add3A_99 : vector<16xf32>
      %swap3A_103 = arith.index_cast %multiple_of3A_82 : i32 to index
      %swap3A_104 = tpu.vector_load %arg7[%swap3A_103] {strides = array<i32>} : memref<2048xf32, #tpu.memory_space<vmem>>, vector<16xf32>,
      tpu.vector_store %arg7[%swap3A_103], %mul3A_102 {strides = array<i32>} : memref<2048xf32, #tpu.memory_space<vmem>>, vector<16xf32>,
      %scan3A_105 = arith.constant 0 : i32
      scf.yield %scan3A_105 : i32
    }
    %scan3A_36 = arith.constant 128 : i32
    %iota3A = tpu.iota {dimensions = array<i32: 0>} : vector<16xi32>
    %eq3A_37 = arith.constant 0 : i32
    %eq3A_38 = vector.broadcast %eq3A_37 : i32 to vector<16xi32>
    %eq3A_39 = arith.cmpi eq, %iota3A, %eq3A_38 : vector<16xi32>
    %scan3A_40 = arith.constant 3.000000e+38 : f32
    %scan3A_41 = arith.constant 0 : i32
    %scan3A_42 = arith.constant 0 : i32
    %scan3A_43 = arith.constant 16 : i32
    %scan3A_44 = arith.addi %scan3A_42, %scan3A_43 : i32
    %scan3A_45 = arith.constant 1 : i32
    %scan3A_46 = scf.for %scan3A_53 = %scan3A_42 to %scan3A_44 step %scan3A_45 iter_args(%scan3A_54 = %scan3A_41) -> (i32)  : i32 {
      %mul3A_55 = arith.constant 128 : i32
      %mul3A_56 = arith.muli %select_n3A_30, %mul3A_55 : i32
      %mul3A_57 = arith.constant 8 : i32
      %mul3A_58 = arith.muli %scan3A_53, %mul3A_57 : i32
      %add3A_59 = arith.addi %mul3A_56, %mul3A_58 : i32
      %add3A_60 = arith.constant 0 : i32
      %add3A_61 = arith.addi %add3A_59, %add3A_60 : i32
      %broadcast_in_dim3A = vector.broadcast %add3A_61 : i32 to vector<16xi32>
      %broadcast_in_dim3A_62 = arith.constant 0 : i32
      %broadcast_in_dim3A_63 = vector.broadcast %broadcast_in_dim3A_62 : i32 to vector<16xi32>
      %gather3A = tpu.vector_load_idx %arg5[%broadcast_in_dim3A_63, %broadcast_in_dim3A] : memref<3x2048xf32, #tpu.memory_space<vmem>>[vector<16xi32>, vector<16xi32>], vector<16xf32>,
      %broadcast_in_dim3A_64 = arith.constant 1 : i32
      %broadcast_in_dim3A_65 = vector.broadcast %broadcast_in_dim3A_64 : i32 to vector<16xi32>
      %gather3A_66 = tpu.vector_load_idx %arg5[%broadcast_in_dim3A_65, %broadcast_in_dim3A] : memref<3x2048xf32, #tpu.memory_space<vmem>>[vector<16xi32>, vector<16xi32>], vector<16xf32>,
      %broadcast_in_dim3A_67 = arith.constant 2 : i32
      %broadcast_in_dim3A_68 = vector.broadcast %broadcast_in_dim3A_67 : i32 to vector<16xi32>
      %gather3A_69 = tpu.vector_load_idx %arg5[%broadcast_in_dim3A_68, %broadcast_in_dim3A] : memref<3x2048xf32, #tpu.memory_space<vmem>>[vector<16xi32>, vector<16xi32>], vector<16xf32>,
      %neg3A = arith.constant 0.000000e+00 : f32
      %neg3A_70 = vector.broadcast %neg3A : f32 to vector<16xf32>
      %neg3A_71 = arith.subf %neg3A_70, %gather3A : vector<16xf32>
      %neg3A_72 = arith.constant 0.000000e+00 : f32
      %neg3A_73 = vector.broadcast %neg3A_72 : f32 to vector<16xf32>
      %neg3A_74 = arith.subf %neg3A_73, %gather3A_66 : vector<16xf32>
      %neg3A_75 = arith.constant 0.000000e+00 : f32
      %neg3A_76 = vector.broadcast %neg3A_75 : f32 to vector<16xf32>
      %neg3A_77 = arith.subf %neg3A_76, %gather3A_69 : vector<16xf32>
      %mul3A_78 = arith.mulf %gather3A, %gather3A : vector<16xf32>
      %mul3A_79 = arith.mulf %gather3A_66, %gather3A_66 : vector<16xf32>
      %add3A_80 = arith.addf %mul3A_78, %mul3A_79 : vector<16xf32>
      %mul3A_81 = arith.mulf %gather3A_69, %gather3A_69 : vector<16xf32>
      %add3A_82 = arith.addf %add3A_80, %mul3A_81 : vector<16xf32>
      %add3A_83 = arith.constant 1 : i32
      %add3A_84 = arith.addi %add3A_59, %add3A_83 : i32
      %broadcast_in_dim3A_85 = vector.broadcast %add3A_84 : i32 to vector<16xi32>
      %broadcast_in_dim3A_86 = arith.constant 0 : i32
      %broadcast_in_dim3A_87 = vector.broadcast %broadcast_in_dim3A_86 : i32 to vector<16xi32>
      %gather3A_88 = tpu.vector_load_idx %arg5[%broadcast_in_dim3A_87, %broadcast_in_dim3A_85] : memref<3x2048xf32, #tpu.memory_space<vmem>>[vector<16xi32>, vector<16xi32>], vector<16xf32>,
      %broadcast_in_dim3A_89 = arith.constant 1 : i32
      %broadcast_in_dim3A_90 = vector.broadcast %broadcast_in_dim3A_89 : i32 to vector<16xi32>
      %gather3A_91 = tpu.vector_load_idx %arg5[%broadcast_in_dim3A_90, %broadcast_in_dim3A_85] : memref<3x2048xf32, #tpu.memory_space<vmem>>[vector<16xi32>, vector<16xi32>], vector<16xf32>,
      %broadcast_in_dim3A_92 = arith.constant 2 : i32
      %broadcast_in_dim3A_93 = vector.broadcast %broadcast_in_dim3A_92 : i32 to vector<16xi32>
      %gather3A_94 = tpu.vector_load_idx %arg5[%broadcast_in_dim3A_93, %broadcast_in_dim3A_85] : memref<3x2048xf32, #tpu.memory_space<vmem>>[vector<16xi32>, vector<16xi32>], vector<16xf32>,
      %neg3A_95 = arith.constant 0.000000e+00 : f32
      %neg3A_96 = vector.broadcast %neg3A_95 : f32 to vector<16xf32>
      %neg3A_97 = arith.subf %neg3A_96, %gather3A_88 : vector<16xf32>
      %neg3A_98 = arith.constant 0.000000e+00 : f32
      %neg3A_99 = vector.broadcast %neg3A_98 : f32 to vector<16xf32>
      %neg3A_100 = arith.subf %neg3A_99, %gather3A_91 : vector<16xf32>
      %neg3A_101 = arith.constant 0.000000e+00 : f32
      %neg3A_102 = vector.broadcast %neg3A_101 : f32 to vector<16xf32>
      %neg3A_103 = arith.subf %neg3A_102, %gather3A_94 : vector<16xf32>
      %mul3A_104 = arith.mulf %gather3A_88, %gather3A_88 : vector<16xf32>
      %mul3A_105 = arith.mulf %gather3A_91, %gather3A_91 : vector<16xf32>
      %add3A_106 = arith.addf %mul3A_104, %mul3A_105 : vector<16xf32>
      %mul3A_107 = arith.mulf %gather3A_94, %gather3A_94 : vector<16xf32>
      %add3A_108 = arith.addf %add3A_106, %mul3A_107 : vector<16xf32>
      %add3A_109 = arith.constant 2 : i32
      %add3A_110 = arith.addi %add3A_59, %add3A_109 : i32
      %broadcast_in_dim3A_111 = vector.broadcast %add3A_110 : i32 to vector<16xi32>
      %broadcast_in_dim3A_112 = arith.constant 0 : i32
      %broadcast_in_dim3A_113 = vector.broadcast %broadcast_in_dim3A_112 : i32 to vector<16xi32>
      %gather3A_114 = tpu.vector_load_idx %arg5[%broadcast_in_dim3A_113, %broadcast_in_dim3A_111] : memref<3x2048xf32, #tpu.memory_space<vmem>>[vector<16xi32>, vector<16xi32>], vector<16xf32>,
      %broadcast_in_dim3A_115 = arith.constant 1 : i32
      %broadcast_in_dim3A_116 = vector.broadcast %broadcast_in_dim3A_115 : i32 to vector<16xi32>
      %gather3A_117 = tpu.vector_load_idx %arg5[%broadcast_in_dim3A_116, %broadcast_in_dim3A_111] : memref<3x2048xf32, #tpu.memory_space<vmem>>[vector<16xi32>, vector<16xi32>], vector<16xf32>,
      %broadcast_in_dim3A_118 = arith.constant 2 : i32
      %broadcast_in_dim3A_119 = vector.broadcast %broadcast_in_dim3A_118 : i32 to vector<16xi32>
      %gather3A_120 = tpu.vector_load_idx %arg5[%broadcast_in_dim3A_119, %broadcast_in_dim3A_111] : memref<3x2048xf32, #tpu.memory_space<vmem>>[vector<16xi32>, vector<16xi32>], vector<16xf32>,
      %neg3A_121 = arith.constant 0.000000e+00 : f32
      %neg3A_122 = vector.broadcast %neg3A_121 : f32 to vector<16xf32>
      %neg3A_123 = arith.subf %neg3A_122, %gather3A_114 : vector<16xf32>
      %neg3A_124 = arith.constant 0.000000e+00 : f32
      %neg3A_125 = vector.broadcast %neg3A_124 : f32 to vector<16xf32>
      %neg3A_126 = arith.subf %neg3A_125, %gather3A_117 : vector<16xf32>
      %neg3A_127 = arith.constant 0.000000e+00 : f32
      %neg3A_128 = vector.broadcast %neg3A_127 : f32 to vector<16xf32>
      %neg3A_129 = arith.subf %neg3A_128, %gather3A_120 : vector<16xf32>
      %mul3A_130 = arith.mulf %gather3A_114, %gather3A_114 : vector<16xf32>
      %mul3A_131 = arith.mulf %gather3A_117, %gather3A_117 : vector<16xf32>
      %add3A_132 = arith.addf %mul3A_130, %mul3A_131 : vector<16xf32>
      %mul3A_133 = arith.mulf %gather3A_120, %gather3A_120 : vector<16xf32>
      %add3A_134 = arith.addf %add3A_132, %mul3A_133 : vector<16xf32>
      %add3A_135 = arith.constant 3 : i32
      %add3A_136 = arith.addi %add3A_59, %add3A_135 : i32
      %broadcast_in_dim3A_137 = vector.broadcast %add3A_136 : i32 to vector<16xi32>
      %broadcast_in_dim3A_138 = arith.constant 0 : i32
      %broadcast_in_dim3A_139 = vector.broadcast %broadcast_in_dim3A_138 : i32 to vector<16xi32>
      %gather3A_140 = tpu.vector_load_idx %arg5[%broadcast_in_dim3A_139, %broadcast_in_dim3A_137] : memref<3x2048xf32, #tpu.memory_space<vmem>>[vector<16xi32>, vector<16xi32>], vector<16xf32>,
      %broadcast_in_dim3A_141 = arith.constant 1 : i32
      %broadcast_in_dim3A_142 = vector.broadcast %broadcast_in_dim3A_141 : i32 to vector<16xi32>
      %gather3A_143 = tpu.vector_load_idx %arg5[%broadcast_in_dim3A_142, %broadcast_in_dim3A_137] : memref<3x2048xf32, #tpu.memory_space<vmem>>[vector<16xi32>, vector<16xi32>], vector<16xf32>,
      %broadcast_in_dim3A_144 = arith.constant 2 : i32
      %broadcast_in_dim3A_145 = vector.broadcast %broadcast_in_dim3A_144 : i32 to vector<16xi32>
      %gather3A_146 = tpu.vector_load_idx %arg5[%broadcast_in_dim3A_145, %broadcast_in_dim3A_137] : memref<3x2048xf32, #tpu.memory_space<vmem>>[vector<16xi32>, vector<16xi32>], vector<16xf32>,
      %neg3A_147 = arith.constant 0.000000e+00 : f32
      %neg3A_148 = vector.broadcast %neg3A_147 : f32 to vector<16xf32>
      %neg3A_149 = arith.subf %neg3A_148, %gather3A_140 : vector<16xf32>
      %neg3A_150 = arith.constant 0.000000e+00 : f32
      %neg3A_151 = vector.broadcast %neg3A_150 : f32 to vector<16xf32>
      %neg3A_152 = arith.subf %neg3A_151, %gather3A_143 : vector<16xf32>
      %neg3A_153 = arith.constant 0.000000e+00 : f32
      %neg3A_154 = vector.broadcast %neg3A_153 : f32 to vector<16xf32>
      %neg3A_155 = arith.subf %neg3A_154, %gather3A_146 : vector<16xf32>
      %mul3A_156 = arith.mulf %gather3A_140, %gather3A_140 : vector<16xf32>
      %mul3A_157 = arith.mulf %gather3A_143, %gather3A_143 : vector<16xf32>
      %add3A_158 = arith.addf %mul3A_156, %mul3A_157 : vector<16xf32>
      %mul3A_159 = arith.mulf %gather3A_146, %gather3A_146 : vector<16xf32>
      %add3A_160 = arith.addf %add3A_158, %mul3A_159 : vector<16xf32>
      %add3A_161 = arith.constant 4 : i32
      %add3A_162 = arith.addi %add3A_59, %add3A_161 : i32
      %broadcast_in_dim3A_163 = vector.broadcast %add3A_162 : i32 to vector<16xi32>
      %broadcast_in_dim3A_164 = arith.constant 0 : i32
      %broadcast_in_dim3A_165 = vector.broadcast %broadcast_in_dim3A_164 : i32 to vector<16xi32>
      %gather3A_166 = tpu.vector_load_idx %arg5[%broadcast_in_dim3A_165, %broadcast_in_dim3A_163] : memref<3x2048xf32, #tpu.memory_space<vmem>>[vector<16xi32>, vector<16xi32>], vector<16xf32>,
      %broadcast_in_dim3A_167 = arith.constant 1 : i32
      %broadcast_in_dim3A_168 = vector.broadcast %broadcast_in_dim3A_167 : i32 to vector<16xi32>
      %gather3A_169 = tpu.vector_load_idx %arg5[%broadcast_in_dim3A_168, %broadcast_in_dim3A_163] : memref<3x2048xf32, #tpu.memory_space<vmem>>[vector<16xi32>, vector<16xi32>], vector<16xf32>,
      %broadcast_in_dim3A_170 = arith.constant 2 : i32
      %broadcast_in_dim3A_171 = vector.broadcast %broadcast_in_dim3A_170 : i32 to vector<16xi32>
      %gather3A_172 = tpu.vector_load_idx %arg5[%broadcast_in_dim3A_171, %broadcast_in_dim3A_163] : memref<3x2048xf32, #tpu.memory_space<vmem>>[vector<16xi32>, vector<16xi32>], vector<16xf32>,
      %neg3A_173 = arith.constant 0.000000e+00 : f32
      %neg3A_174 = vector.broadcast %neg3A_173 : f32 to vector<16xf32>
      %neg3A_175 = arith.subf %neg3A_174, %gather3A_166 : vector<16xf32>
      %neg3A_176 = arith.constant 0.000000e+00 : f32
      %neg3A_177 = vector.broadcast %neg3A_176 : f32 to vector<16xf32>
      %neg3A_178 = arith.subf %neg3A_177, %gather3A_169 : vector<16xf32>
      %neg3A_179 = arith.constant 0.000000e+00 : f32
      %neg3A_180 = vector.broadcast %neg3A_179 : f32 to vector<16xf32>
      %neg3A_181 = arith.subf %neg3A_180, %gather3A_172 : vector<16xf32>
      %mul3A_182 = arith.mulf %gather3A_166, %gather3A_166 : vector<16xf32>
      %mul3A_183 = arith.mulf %gather3A_169, %gather3A_169 : vector<16xf32>
      %add3A_184 = arith.addf %mul3A_182, %mul3A_183 : vector<16xf32>
      %mul3A_185 = arith.mulf %gather3A_172, %gather3A_172 : vector<16xf32>
      %add3A_186 = arith.addf %add3A_184, %mul3A_185 : vector<16xf32>
      %add3A_187 = arith.constant 5 : i32
      %add3A_188 = arith.addi %add3A_59, %add3A_187 : i32
      %broadcast_in_dim3A_189 = vector.broadcast %add3A_188 : i32 to vector<16xi32>
      %broadcast_in_dim3A_190 = arith.constant 0 : i32
      %broadcast_in_dim3A_191 = vector.broadcast %broadcast_in_dim3A_190 : i32 to vector<16xi32>
      %gather3A_192 = tpu.vector_load_idx %arg5[%broadcast_in_dim3A_191, %broadcast_in_dim3A_189] : memref<3x2048xf32, #tpu.memory_space<vmem>>[vector<16xi32>, vector<16xi32>], vector<16xf32>,
      %broadcast_in_dim3A_193 = arith.constant 1 : i32
      %broadcast_in_dim3A_194 = vector.broadcast %broadcast_in_dim3A_193 : i32 to vector<16xi32>
      %gather3A_195 = tpu.vector_load_idx %arg5[%broadcast_in_dim3A_194, %broadcast_in_dim3A_189] : memref<3x2048xf32, #tpu.memory_space<vmem>>[vector<16xi32>, vector<16xi32>], vector<16xf32>,
      %broadcast_in_dim3A_196 = arith.constant 2 : i32
      %broadcast_in_dim3A_197 = vector.broadcast %broadcast_in_dim3A_196 : i32 to vector<16xi32>
      %gather3A_198 = tpu.vector_load_idx %arg5[%broadcast_in_dim3A_197, %broadcast_in_dim3A_189] : memref<3x2048xf32, #tpu.memory_space<vmem>>[vector<16xi32>, vector<16xi32>], vector<16xf32>,
      %neg3A_199 = arith.constant 0.000000e+00 : f32
      %neg3A_200 = vector.broadcast %neg3A_199 : f32 to vector<16xf32>
      %neg3A_201 = arith.subf %neg3A_200, %gather3A_192 : vector<16xf32>
      %neg3A_202 = arith.constant 0.000000e+00 : f32
      %neg3A_203 = vector.broadcast %neg3A_202 : f32 to vector<16xf32>
      %neg3A_204 = arith.subf %neg3A_203, %gather3A_195 : vector<16xf32>
      %neg3A_205 = arith.constant 0.000000e+00 : f32
      %neg3A_206 = vector.broadcast %neg3A_205 : f32 to vector<16xf32>
      %neg3A_207 = arith.subf %neg3A_206, %gather3A_198 : vector<16xf32>
      %mul3A_208 = arith.mulf %gather3A_192, %gather3A_192 : vector<16xf32>
      %mul3A_209 = arith.mulf %gather3A_195, %gather3A_195 : vector<16xf32>
      %add3A_210 = arith.addf %mul3A_208, %mul3A_209 : vector<16xf32>
      %mul3A_211 = arith.mulf %gather3A_198, %gather3A_198 : vector<16xf32>
      %add3A_212 = arith.addf %add3A_210, %mul3A_211 : vector<16xf32>
      %add3A_213 = arith.constant 6 : i32
      %add3A_214 = arith.addi %add3A_59, %add3A_213 : i32
      %broadcast_in_dim3A_215 = vector.broadcast %add3A_214 : i32 to vector<16xi32>
      %broadcast_in_dim3A_216 = arith.constant 0 : i32
      %broadcast_in_dim3A_217 = vector.broadcast %broadcast_in_dim3A_216 : i32 to vector<16xi32>
      %gather3A_218 = tpu.vector_load_idx %arg5[%broadcast_in_dim3A_217, %broadcast_in_dim3A_215] : memref<3x2048xf32, #tpu.memory_space<vmem>>[vector<16xi32>, vector<16xi32>], vector<16xf32>,
      %broadcast_in_dim3A_219 = arith.constant 1 : i32
      %broadcast_in_dim3A_220 = vector.broadcast %broadcast_in_dim3A_219 : i32 to vector<16xi32>
      %gather3A_221 = tpu.vector_load_idx %arg5[%broadcast_in_dim3A_220, %broadcast_in_dim3A_215] : memref<3x2048xf32, #tpu.memory_space<vmem>>[vector<16xi32>, vector<16xi32>], vector<16xf32>,
      %broadcast_in_dim3A_222 = arith.constant 2 : i32
      %broadcast_in_dim3A_223 = vector.broadcast %broadcast_in_dim3A_222 : i32 to vector<16xi32>
      %gather3A_224 = tpu.vector_load_idx %arg5[%broadcast_in_dim3A_223, %broadcast_in_dim3A_215] : memref<3x2048xf32, #tpu.memory_space<vmem>>[vector<16xi32>, vector<16xi32>], vector<16xf32>,
      %neg3A_225 = arith.constant 0.000000e+00 : f32
      %neg3A_226 = vector.broadcast %neg3A_225 : f32 to vector<16xf32>
      %neg3A_227 = arith.subf %neg3A_226, %gather3A_218 : vector<16xf32>
      %neg3A_228 = arith.constant 0.000000e+00 : f32
      %neg3A_229 = vector.broadcast %neg3A_228 : f32 to vector<16xf32>
      %neg3A_230 = arith.subf %neg3A_229, %gather3A_221 : vector<16xf32>
      %neg3A_231 = arith.constant 0.000000e+00 : f32
      %neg3A_232 = vector.broadcast %neg3A_231 : f32 to vector<16xf32>
      %neg3A_233 = arith.subf %neg3A_232, %gather3A_224 : vector<16xf32>
      %mul3A_234 = arith.mulf %gather3A_218, %gather3A_218 : vector<16xf32>
      %mul3A_235 = arith.mulf %gather3A_221, %gather3A_221 : vector<16xf32>
      %add3A_236 = arith.addf %mul3A_234, %mul3A_235 : vector<16xf32>
      %mul3A_237 = arith.mulf %gather3A_224, %gather3A_224 : vector<16xf32>
      %add3A_238 = arith.addf %add3A_236, %mul3A_237 : vector<16xf32>
      %add3A_239 = arith.constant 7 : i32
      %add3A_240 = arith.addi %add3A_59, %add3A_239 : i32
      %broadcast_in_dim3A_241 = vector.broadcast %add3A_240 : i32 to vector<16xi32>
      %broadcast_in_dim3A_242 = arith.constant 0 : i32
      %broadcast_in_dim3A_243 = vector.broadcast %broadcast_in_dim3A_242 : i32 to vector<16xi32>
      %gather3A_244 = tpu.vector_load_idx %arg5[%broadcast_in_dim3A_243, %broadcast_in_dim3A_241] : memref<3x2048xf32, #tpu.memory_space<vmem>>[vector<16xi32>, vector<16xi32>], vector<16xf32>,
      %broadcast_in_dim3A_245 = arith.constant 1 : i32
      %broadcast_in_dim3A_246 = vector.broadcast %broadcast_in_dim3A_245 : i32 to vector<16xi32>
      %gather3A_247 = tpu.vector_load_idx %arg5[%broadcast_in_dim3A_246, %broadcast_in_dim3A_241] : memref<3x2048xf32, #tpu.memory_space<vmem>>[vector<16xi32>, vector<16xi32>], vector<16xf32>,
      %broadcast_in_dim3A_248 = arith.constant 2 : i32
      %broadcast_in_dim3A_249 = vector.broadcast %broadcast_in_dim3A_248 : i32 to vector<16xi32>
      %gather3A_250 = tpu.vector_load_idx %arg5[%broadcast_in_dim3A_249, %broadcast_in_dim3A_241] : memref<3x2048xf32, #tpu.memory_space<vmem>>[vector<16xi32>, vector<16xi32>], vector<16xf32>,
      %neg3A_251 = arith.constant 0.000000e+00 : f32
      %neg3A_252 = vector.broadcast %neg3A_251 : f32 to vector<16xf32>
      %neg3A_253 = arith.subf %neg3A_252, %gather3A_244 : vector<16xf32>
      %neg3A_254 = arith.constant 0.000000e+00 : f32
      %neg3A_255 = vector.broadcast %neg3A_254 : f32 to vector<16xf32>
      %neg3A_256 = arith.subf %neg3A_255, %gather3A_247 : vector<16xf32>
      %neg3A_257 = arith.constant 0.000000e+00 : f32
      %neg3A_258 = vector.broadcast %neg3A_257 : f32 to vector<16xf32>
      %neg3A_259 = arith.subf %neg3A_258, %gather3A_250 : vector<16xf32>
      %mul3A_260 = arith.mulf %gather3A_244, %gather3A_244 : vector<16xf32>
      %mul3A_261 = arith.mulf %gather3A_247, %gather3A_247 : vector<16xf32>
      %add3A_262 = arith.addf %mul3A_260, %mul3A_261 : vector<16xf32>
      %mul3A_263 = arith.mulf %gather3A_250, %gather3A_250 : vector<16xf32>
      %add3A_264 = arith.addf %add3A_262, %mul3A_263 : vector<16xf32>
      %broadcast_in_dim3A_265 = vector.broadcast %scan3A_40 : f32 to vector<16xf32>
      %parallel_loop3A = arith.constant 0 : i32
      %parallel_loop3A_266 = arith.constant 128 : i32
      %parallel_loop3A_267 = arith.constant 1 : i32
      %parallel_loop3A_268:8 = scf.for %parallel_loop3A_388 = %parallel_loop3A to %parallel_loop3A_266 step %parallel_loop3A_267 iter_args(%parallel_loop3A_389 = %broadcast_in_dim3A_265, %parallel_loop3A_390 = %broadcast_in_dim3A_265, %parallel_loop3A_391 = %broadcast_in_dim3A_265, %parallel_loop3A_392 = %broadcast_in_dim3A_265, %parallel_loop3A_393 = %broadcast_in_dim3A_265, %parallel_loop3A_394 = %broadcast_in_dim3A_265, %parallel_loop3A_395 = %broadcast_in_dim3A_265, %parallel_loop3A_396 = %broadcast_in_dim3A_265) -> (vector<16xf32>, vector<16xf32>, vector<16xf32>, vector<16xf32>, vector<16xf32>, vector<16xf32>, vector<16xf32>, vector<16xf32>)  : i32 {
        %parallel_loop3A_397 = arith.constant 16 : i32
        %parallel_loop3A_398 = arith.muli %parallel_loop3A_388, %parallel_loop3A_397 : i32
        %parallel_loop3A_399 = tpu.assume_multiple %parallel_loop3A_398, 16 : i32
        %parallel_loop3A_400 = arith.constant 0 : i32
        %parallel_loop3A_401 = arith.index_cast %parallel_loop3A_400 : i32 to index
        %parallel_loop3A_402 = arith.index_cast %parallel_loop3A_399 : i32 to index
        %parallel_loop3A_403 = tpu.vector_load %arg6[%parallel_loop3A_401, %parallel_loop3A_402] {strides = array<i32>} : memref<3x2048xf32, #tpu.memory_space<vmem>>, vector<16xf32>,
        %parallel_loop3A_404 = arith.constant 1 : i32
        %parallel_loop3A_405 = arith.index_cast %parallel_loop3A_404 : i32 to index
        %parallel_loop3A_406 = arith.index_cast %parallel_loop3A_399 : i32 to index
        %parallel_loop3A_407 = tpu.vector_load %arg6[%parallel_loop3A_405, %parallel_loop3A_406] {strides = array<i32>} : memref<3x2048xf32, #tpu.memory_space<vmem>>, vector<16xf32>,
        %parallel_loop3A_408 = arith.constant 2 : i32
        %parallel_loop3A_409 = arith.index_cast %parallel_loop3A_408 : i32 to index
        %parallel_loop3A_410 = arith.index_cast %parallel_loop3A_399 : i32 to index
        %parallel_loop3A_411 = tpu.vector_load %arg6[%parallel_loop3A_409, %parallel_loop3A_410] {strides = array<i32>} : memref<3x2048xf32, #tpu.memory_space<vmem>>, vector<16xf32>,
        %parallel_loop3A_412 = arith.index_cast %parallel_loop3A_399 : i32 to index
        %parallel_loop3A_413 = tpu.vector_load %arg7[%parallel_loop3A_412] {strides = array<i32>} : memref<2048xf32, #tpu.memory_space<vmem>>, vector<16xf32>,
        %parallel_loop3A_414 = arith.mulf %neg3A_71, %parallel_loop3A_403 : vector<16xf32>
        %parallel_loop3A_415 = arith.addf %parallel_loop3A_414, %parallel_loop3A_413 : vector<16xf32>
        %parallel_loop3A_416 = arith.mulf %neg3A_74, %parallel_loop3A_407 : vector<16xf32>
        %parallel_loop3A_417 = arith.addf %parallel_loop3A_416, %parallel_loop3A_415 : vector<16xf32>
        %parallel_loop3A_418 = arith.mulf %neg3A_77, %parallel_loop3A_411 : vector<16xf32>
        %parallel_loop3A_419 = arith.addf %parallel_loop3A_418, %parallel_loop3A_417 : vector<16xf32>
        %parallel_loop3A_420 = arith.minimumf %parallel_loop3A_389, %parallel_loop3A_419 : vector<16xf32>
        %parallel_loop3A_421 = arith.mulf %neg3A_97, %parallel_loop3A_403 : vector<16xf32>
        %parallel_loop3A_422 = arith.addf %parallel_loop3A_421, %parallel_loop3A_413 : vector<16xf32>
        %parallel_loop3A_423 = arith.mulf %neg3A_100, %parallel_loop3A_407 : vector<16xf32>
        %parallel_loop3A_424 = arith.addf %parallel_loop3A_423, %parallel_loop3A_422 : vector<16xf32>
        %parallel_loop3A_425 = arith.mulf %neg3A_103, %parallel_loop3A_411 : vector<16xf32>
        %parallel_loop3A_426 = arith.addf %parallel_loop3A_425, %parallel_loop3A_424 : vector<16xf32>
        %parallel_loop3A_427 = arith.minimumf %parallel_loop3A_390, %parallel_loop3A_426 : vector<16xf32>
        %parallel_loop3A_428 = arith.mulf %neg3A_123, %parallel_loop3A_403 : vector<16xf32>
        %parallel_loop3A_429 = arith.addf %parallel_loop3A_428, %parallel_loop3A_413 : vector<16xf32>
        %parallel_loop3A_430 = arith.mulf %neg3A_126, %parallel_loop3A_407 : vector<16xf32>
        %parallel_loop3A_431 = arith.addf %parallel_loop3A_430, %parallel_loop3A_429 : vector<16xf32>
        %parallel_loop3A_432 = arith.mulf %neg3A_129, %parallel_loop3A_411 : vector<16xf32>
        %parallel_loop3A_433 = arith.addf %parallel_loop3A_432, %parallel_loop3A_431 : vector<16xf32>
        %parallel_loop3A_434 = arith.minimumf %parallel_loop3A_391, %parallel_loop3A_433 : vector<16xf32>
        %parallel_loop3A_435 = arith.mulf %neg3A_149, %parallel_loop3A_403 : vector<16xf32>
        %parallel_loop3A_436 = arith.addf %parallel_loop3A_435, %parallel_loop3A_413 : vector<16xf32>
        %parallel_loop3A_437 = arith.mulf %neg3A_152, %parallel_loop3A_407 : vector<16xf32>
        %parallel_loop3A_438 = arith.addf %parallel_loop3A_437, %parallel_loop3A_436 : vector<16xf32>
        %parallel_loop3A_439 = arith.mulf %neg3A_155, %parallel_loop3A_411 : vector<16xf32>
        %parallel_loop3A_440 = arith.addf %parallel_loop3A_439, %parallel_loop3A_438 : vector<16xf32>
        %parallel_loop3A_441 = arith.minimumf %parallel_loop3A_392, %parallel_loop3A_440 : vector<16xf32>
        %parallel_loop3A_442 = arith.mulf %neg3A_175, %parallel_loop3A_403 : vector<16xf32>
        %parallel_loop3A_443 = arith.addf %parallel_loop3A_442, %parallel_loop3A_413 : vector<16xf32>
        %parallel_loop3A_444 = arith.mulf %neg3A_178, %parallel_loop3A_407 : vector<16xf32>
        %parallel_loop3A_445 = arith.addf %parallel_loop3A_444, %parallel_loop3A_443 : vector<16xf32>
        %parallel_loop3A_446 = arith.mulf %neg3A_181, %parallel_loop3A_411 : vector<16xf32>
        %parallel_loop3A_447 = arith.addf %parallel_loop3A_446, %parallel_loop3A_445 : vector<16xf32>
        %parallel_loop3A_448 = arith.minimumf %parallel_loop3A_393, %parallel_loop3A_447 : vector<16xf32>
        %parallel_loop3A_449 = arith.mulf %neg3A_201, %parallel_loop3A_403 : vector<16xf32>
        %parallel_loop3A_450 = arith.addf %parallel_loop3A_449, %parallel_loop3A_413 : vector<16xf32>
        %parallel_loop3A_451 = arith.mulf %neg3A_204, %parallel_loop3A_407 : vector<16xf32>
        %parallel_loop3A_452 = arith.addf %parallel_loop3A_451, %parallel_loop3A_450 : vector<16xf32>
        %parallel_loop3A_453 = arith.mulf %neg3A_207, %parallel_loop3A_411 : vector<16xf32>
        %parallel_loop3A_454 = arith.addf %parallel_loop3A_453, %parallel_loop3A_452 : vector<16xf32>
        %parallel_loop3A_455 = arith.minimumf %parallel_loop3A_394, %parallel_loop3A_454 : vector<16xf32>
        %parallel_loop3A_456 = arith.mulf %neg3A_227, %parallel_loop3A_403 : vector<16xf32>
        %parallel_loop3A_457 = arith.addf %parallel_loop3A_456, %parallel_loop3A_413 : vector<16xf32>
        %parallel_loop3A_458 = arith.mulf %neg3A_230, %parallel_loop3A_407 : vector<16xf32>
        %parallel_loop3A_459 = arith.addf %parallel_loop3A_458, %parallel_loop3A_457 : vector<16xf32>
        %parallel_loop3A_460 = arith.mulf %neg3A_233, %parallel_loop3A_411 : vector<16xf32>
        %parallel_loop3A_461 = arith.addf %parallel_loop3A_460, %parallel_loop3A_459 : vector<16xf32>
        %parallel_loop3A_462 = arith.minimumf %parallel_loop3A_395, %parallel_loop3A_461 : vector<16xf32>
        %parallel_loop3A_463 = arith.mulf %neg3A_253, %parallel_loop3A_403 : vector<16xf32>
        %parallel_loop3A_464 = arith.addf %parallel_loop3A_463, %parallel_loop3A_413 : vector<16xf32>
        %parallel_loop3A_465 = arith.mulf %neg3A_256, %parallel_loop3A_407 : vector<16xf32>
        %parallel_loop3A_466 = arith.addf %parallel_loop3A_465, %parallel_loop3A_464 : vector<16xf32>
        %parallel_loop3A_467 = arith.mulf %neg3A_259, %parallel_loop3A_411 : vector<16xf32>
        %parallel_loop3A_468 = arith.addf %parallel_loop3A_467, %parallel_loop3A_466 : vector<16xf32>
        %parallel_loop3A_469 = arith.minimumf %parallel_loop3A_396, %parallel_loop3A_468 : vector<16xf32>
        scf.yield %parallel_loop3A_420, %parallel_loop3A_427, %parallel_loop3A_434, %parallel_loop3A_441, %parallel_loop3A_448, %parallel_loop3A_455, %parallel_loop3A_462, %parallel_loop3A_469 : vector<16xf32>, vector<16xf32>, vector<16xf32>, vector<16xf32>, vector<16xf32>, vector<16xf32>, vector<16xf32>, vector<16xf32>
      } {sc.loop_unroll_factor = 2 : i64, sc.parallel_access}
      %add3A_269 = arith.addf %parallel_loop3A_268#0, %parallel_loop3A_268#0 : vector<16xf32>
      %add3A_270 = arith.addf %add3A_269, %add3A_82 : vector<16xf32>
      %max3A = arith.constant 0.000000e+00 : f32
      %max3A_271 = vector.broadcast %max3A : f32 to vector<16xf32>
      %max3A_272 = arith.maximumf %add3A_270, %max3A_271 : vector<16xf32>
      %reduce_min3A = arith.constant true
      %reduce_min3A_273 = vector.broadcast %reduce_min3A : i1 to vector<16xi1>
      %reduce_min3A_274 = tpu.scan <min>, %max3A_272 masked %reduce_min3A_273 : vector<16xf32>, vector<16xi1> -> vector<16xf32>
      %reduce_min3A_275 = vector.extract %reduce_min3A_274[15] : f32 from vector<16xf32>
      %mul3A_276 = arith.constant 8 : i32
      %mul3A_277 = arith.muli %scan3A_53, %mul3A_276 : i32
      %add3A_278 = arith.constant 0 : i32
      %add3A_279 = arith.addi %mul3A_277, %add3A_278 : i32
      %broadcast_in_dim3A_280 = vector.broadcast %add3A_279 : i32 to vector<16xi32>
      %broadcast_in_dim3A_281 = vector.broadcast %reduce_min3A_275 : f32 to vector<16xf32>
      tpu.vector_store_idx %arg8[%broadcast_in_dim3A_280], %broadcast_in_dim3A_281 masked %eq3A_39 : memref<128xf32, #tpu.memory_space<vmem>>[vector<16xi32>], vector<16xf32>, vector<16xi1>
      %add3A_282 = arith.addf %parallel_loop3A_268#1, %parallel_loop3A_268#1 : vector<16xf32>
      %add3A_283 = arith.addf %add3A_282, %add3A_108 : vector<16xf32>
      %max3A_284 = arith.constant 0.000000e+00 : f32
      %max3A_285 = vector.broadcast %max3A_284 : f32 to vector<16xf32>
      %max3A_286 = arith.maximumf %add3A_283, %max3A_285 : vector<16xf32>
      %reduce_min3A_287 = arith.constant true
      %reduce_min3A_288 = vector.broadcast %reduce_min3A_287 : i1 to vector<16xi1>
      %reduce_min3A_289 = tpu.scan <min>, %max3A_286 masked %reduce_min3A_288 : vector<16xf32>, vector<16xi1> -> vector<16xf32>
      %reduce_min3A_290 = vector.extract %reduce_min3A_289[15] : f32 from vector<16xf32>
      %mul3A_291 = arith.constant 8 : i32
      %mul3A_292 = arith.muli %scan3A_53, %mul3A_291 : i32
      %add3A_293 = arith.constant 1 : i32
      %add3A_294 = arith.addi %mul3A_292, %add3A_293 : i32
      %broadcast_in_dim3A_295 = vector.broadcast %add3A_294 : i32 to vector<16xi32>
      %broadcast_in_dim3A_296 = vector.broadcast %reduce_min3A_290 : f32 to vector<16xf32>
      tpu.vector_store_idx %arg8[%broadcast_in_dim3A_295], %broadcast_in_dim3A_296 masked %eq3A_39 : memref<128xf32, #tpu.memory_space<vmem>>[vector<16xi32>], vector<16xf32>, vector<16xi1>
      %add3A_297 = arith.addf %parallel_loop3A_268#2, %parallel_loop3A_268#2 : vector<16xf32>
      %add3A_298 = arith.addf %add3A_297, %add3A_134 : vector<16xf32>
      %max3A_299 = arith.constant 0.000000e+00 : f32
      %max3A_300 = vector.broadcast %max3A_299 : f32 to vector<16xf32>
      %max3A_301 = arith.maximumf %add3A_298, %max3A_300 : vector<16xf32>
      %reduce_min3A_302 = arith.constant true
      %reduce_min3A_303 = vector.broadcast %reduce_min3A_302 : i1 to vector<16xi1>
      %reduce_min3A_304 = tpu.scan <min>, %max3A_301 masked %reduce_min3A_303 : vector<16xf32>, vector<16xi1> -> vector<16xf32>
      %reduce_min3A_305 = vector.extract %reduce_min3A_304[15] : f32 from vector<16xf32>
      %mul3A_306 = arith.constant 8 : i32
      %mul3A_307 = arith.muli %scan3A_53, %mul3A_306 : i32
      %add3A_308 = arith.constant 2 : i32
      %add3A_309 = arith.addi %mul3A_307, %add3A_308 : i32
      %broadcast_in_dim3A_310 = vector.broadcast %add3A_309 : i32 to vector<16xi32>
      %broadcast_in_dim3A_311 = vector.broadcast %reduce_min3A_305 : f32 to vector<16xf32>
      tpu.vector_store_idx %arg8[%broadcast_in_dim3A_310], %broadcast_in_dim3A_311 masked %eq3A_39 : memref<128xf32, #tpu.memory_space<vmem>>[vector<16xi32>], vector<16xf32>, vector<16xi1>
      %add3A_312 = arith.addf %parallel_loop3A_268#3, %parallel_loop3A_268#3 : vector<16xf32>
      %add3A_313 = arith.addf %add3A_312, %add3A_160 : vector<16xf32>
      %max3A_314 = arith.constant 0.000000e+00 : f32
      %max3A_315 = vector.broadcast %max3A_314 : f32 to vector<16xf32>
      %max3A_316 = arith.maximumf %add3A_313, %max3A_315 : vector<16xf32>
      %reduce_min3A_317 = arith.constant true
      %reduce_min3A_318 = vector.broadcast %reduce_min3A_317 : i1 to vector<16xi1>
      %reduce_min3A_319 = tpu.scan <min>, %max3A_316 masked %reduce_min3A_318 : vector<16xf32>, vector<16xi1> -> vector<16xf32>
      %reduce_min3A_320 = vector.extract %reduce_min3A_319[15] : f32 from vector<16xf32>
      %mul3A_321 = arith.constant 8 : i32
      %mul3A_322 = arith.muli %scan3A_53, %mul3A_321 : i32
      %add3A_323 = arith.constant 3 : i32
      %add3A_324 = arith.addi %mul3A_322, %add3A_323 : i32
      %broadcast_in_dim3A_325 = vector.broadcast %add3A_324 : i32 to vector<16xi32>
      %broadcast_in_dim3A_326 = vector.broadcast %reduce_min3A_320 : f32 to vector<16xf32>
      tpu.vector_store_idx %arg8[%broadcast_in_dim3A_325], %broadcast_in_dim3A_326 masked %eq3A_39 : memref<128xf32, #tpu.memory_space<vmem>>[vector<16xi32>], vector<16xf32>, vector<16xi1>
      %add3A_327 = arith.addf %parallel_loop3A_268#4, %parallel_loop3A_268#4 : vector<16xf32>
      %add3A_328 = arith.addf %add3A_327, %add3A_186 : vector<16xf32>
      %max3A_329 = arith.constant 0.000000e+00 : f32
      %max3A_330 = vector.broadcast %max3A_329 : f32 to vector<16xf32>
      %max3A_331 = arith.maximumf %add3A_328, %max3A_330 : vector<16xf32>
      %reduce_min3A_332 = arith.constant true
      %reduce_min3A_333 = vector.broadcast %reduce_min3A_332 : i1 to vector<16xi1>
      %reduce_min3A_334 = tpu.scan <min>, %max3A_331 masked %reduce_min3A_333 : vector<16xf32>, vector<16xi1> -> vector<16xf32>
      %reduce_min3A_335 = vector.extract %reduce_min3A_334[15] : f32 from vector<16xf32>
      %mul3A_336 = arith.constant 8 : i32
      %mul3A_337 = arith.muli %scan3A_53, %mul3A_336 : i32
      %add3A_338 = arith.constant 4 : i32
      %add3A_339 = arith.addi %mul3A_337, %add3A_338 : i32
      %broadcast_in_dim3A_340 = vector.broadcast %add3A_339 : i32 to vector<16xi32>
      %broadcast_in_dim3A_341 = vector.broadcast %reduce_min3A_335 : f32 to vector<16xf32>
      tpu.vector_store_idx %arg8[%broadcast_in_dim3A_340], %broadcast_in_dim3A_341 masked %eq3A_39 : memref<128xf32, #tpu.memory_space<vmem>>[vector<16xi32>], vector<16xf32>, vector<16xi1>
      %add3A_342 = arith.addf %parallel_loop3A_268#5, %parallel_loop3A_268#5 : vector<16xf32>
      %add3A_343 = arith.addf %add3A_342, %add3A_212 : vector<16xf32>
      %max3A_344 = arith.constant 0.000000e+00 : f32
      %max3A_345 = vector.broadcast %max3A_344 : f32 to vector<16xf32>
      %max3A_346 = arith.maximumf %add3A_343, %max3A_345 : vector<16xf32>
      %reduce_min3A_347 = arith.constant true
      %reduce_min3A_348 = vector.broadcast %reduce_min3A_347 : i1 to vector<16xi1>
      %reduce_min3A_349 = tpu.scan <min>, %max3A_346 masked %reduce_min3A_348 : vector<16xf32>, vector<16xi1> -> vector<16xf32>
      %reduce_min3A_350 = vector.extract %reduce_min3A_349[15] : f32 from vector<16xf32>
      %mul3A_351 = arith.constant 8 : i32
      %mul3A_352 = arith.muli %scan3A_53, %mul3A_351 : i32
      %add3A_353 = arith.constant 5 : i32
      %add3A_354 = arith.addi %mul3A_352, %add3A_353 : i32
      %broadcast_in_dim3A_355 = vector.broadcast %add3A_354 : i32 to vector<16xi32>
      %broadcast_in_dim3A_356 = vector.broadcast %reduce_min3A_350 : f32 to vector<16xf32>
      tpu.vector_store_idx %arg8[%broadcast_in_dim3A_355], %broadcast_in_dim3A_356 masked %eq3A_39 : memref<128xf32, #tpu.memory_space<vmem>>[vector<16xi32>], vector<16xf32>, vector<16xi1>
      %add3A_357 = arith.addf %parallel_loop3A_268#6, %parallel_loop3A_268#6 : vector<16xf32>
      %add3A_358 = arith.addf %add3A_357, %add3A_238 : vector<16xf32>
      %max3A_359 = arith.constant 0.000000e+00 : f32
      %max3A_360 = vector.broadcast %max3A_359 : f32 to vector<16xf32>
      %max3A_361 = arith.maximumf %add3A_358, %max3A_360 : vector<16xf32>
      %reduce_min3A_362 = arith.constant true
      %reduce_min3A_363 = vector.broadcast %reduce_min3A_362 : i1 to vector<16xi1>
      %reduce_min3A_364 = tpu.scan <min>, %max3A_361 masked %reduce_min3A_363 : vector<16xf32>, vector<16xi1> -> vector<16xf32>
      %reduce_min3A_365 = vector.extract %reduce_min3A_364[15] : f32 from vector<16xf32>
      %mul3A_366 = arith.constant 8 : i32
      %mul3A_367 = arith.muli %scan3A_53, %mul3A_366 : i32
      %add3A_368 = arith.constant 6 : i32
      %add3A_369 = arith.addi %mul3A_367, %add3A_368 : i32
      %broadcast_in_dim3A_370 = vector.broadcast %add3A_369 : i32 to vector<16xi32>
      %broadcast_in_dim3A_371 = vector.broadcast %reduce_min3A_365 : f32 to vector<16xf32>
      tpu.vector_store_idx %arg8[%broadcast_in_dim3A_370], %broadcast_in_dim3A_371 masked %eq3A_39 : memref<128xf32, #tpu.memory_space<vmem>>[vector<16xi32>], vector<16xf32>, vector<16xi1>
      %add3A_372 = arith.addf %parallel_loop3A_268#7, %parallel_loop3A_268#7 : vector<16xf32>
      %add3A_373 = arith.addf %add3A_372, %add3A_264 : vector<16xf32>
      %max3A_374 = arith.constant 0.000000e+00 : f32
      %max3A_375 = vector.broadcast %max3A_374 : f32 to vector<16xf32>
      %max3A_376 = arith.maximumf %add3A_373, %max3A_375 : vector<16xf32>
      %reduce_min3A_377 = arith.constant true
      %reduce_min3A_378 = vector.broadcast %reduce_min3A_377 : i1 to vector<16xi1>
      %reduce_min3A_379 = tpu.scan <min>, %max3A_376 masked %reduce_min3A_378 : vector<16xf32>, vector<16xi1> -> vector<16xf32>
      %reduce_min3A_380 = vector.extract %reduce_min3A_379[15] : f32 from vector<16xf32>
      %mul3A_381 = arith.constant 8 : i32
      %mul3A_382 = arith.muli %scan3A_53, %mul3A_381 : i32
      %add3A_383 = arith.constant 7 : i32
      %add3A_384 = arith.addi %mul3A_382, %add3A_383 : i32
      %broadcast_in_dim3A_385 = vector.broadcast %add3A_384 : i32 to vector<16xi32>
      %broadcast_in_dim3A_386 = vector.broadcast %reduce_min3A_380 : f32 to vector<16xf32>
      tpu.vector_store_idx %arg8[%broadcast_in_dim3A_385], %broadcast_in_dim3A_386 masked %eq3A_39 : memref<128xf32, #tpu.memory_space<vmem>>[vector<16xi32>], vector<16xf32>, vector<16xi1>
      %scan3A_387 = arith.constant 0 : i32
      scf.yield %scan3A_387 : i32
    }
    %scan3A_47 = arith.constant 16 : i32
    %mul3A_48 = arith.constant 1024 : i32
    %mul3A_49 = arith.muli %select_n3A, %mul3A_48 : i32
    %mul3A_50 = arith.constant 128 : i32
    %mul3A_51 = arith.muli %select_n3A_30, %mul3A_50 : i32
    %add3A_52 = arith.addi %mul3A_49, %mul3A_51 : i32
    "tpu.region"() ({
      %run_scoped3A = tpu.sem_alloc : memref<!tpu.dma_semaphore, #tpu.memory_space<semaphore_mem>>
      %dma_start3A = tpu.memref_slice %arg4[%add3A_52] : memref<4096xf32, #tpu.memory_space<hbm>> -> memref<128xf32, #tpu.memory_space<hbm>>
      %dma_start3A_53 = tpu.memref_slice %arg4[%add3A_52] : memref<4096xf32, #tpu.memory_space<hbm>> -> memref<128xf32, #tpu.memory_space<hbm>>
      tpu.enqueue_dma source(%arg8 : memref<128xf32, #tpu.memory_space<vmem>>) target(%dma_start3A_53 : memref<128xf32, #tpu.memory_space<hbm>>) target_semaphore(%run_scoped3A : memref<!tpu.dma_semaphore, #tpu.memory_space<semaphore_mem>>)
      %dma_wait3A = tpu.memref_slice %arg4[%add3A_52] : memref<4096xf32, #tpu.memory_space<hbm>> -> memref<128xf32, #tpu.memory_space<hbm>>
      %dma_wait3A_54 = tpu.memref_slice %arg4[%add3A_52] : memref<4096xf32, #tpu.memory_space<hbm>> -> memref<128xf32, #tpu.memory_space<hbm>>
      tpu.wait_dma2 semaphore(%run_scoped3A : memref<!tpu.dma_semaphore, #tpu.memory_space<semaphore_mem>>) src(%arg8 : memref<128xf32, #tpu.memory_space<vmem>>) dst(%dma_wait3A_54 : memref<128xf32, #tpu.memory_space<hbm>>)
      tpu.yield
    }) : () -> ()
    return
  }
}

module attributes {stable_mosaic.version = 14 : i64} {
  func.func @_tc_nn_body(%arg0: i32, %arg1: i32, %arg2: memref<1x3x1024xf32, #tpu.memory_space<vmem>>, %arg3: memref<1x3x2048xf32, #tpu.memory_space<vmem>>, %arg4: memref<1x1xf32, #tpu.memory_space<smem>>) attributes {dimension_semantics = [#tpu.dimension_semantics<arbitrary>, #tpu.dimension_semantics<arbitrary>], iteration_bounds = array<i64: 4, 2>, scalar_prefetch = 0 : i64, scratch_operands = 0 : i64, tpu.core_type = #tpu.core_type<tc>, window_params = [{transform_indices = @transform_0, window_bounds = array<i64: 1, 3, 1024>}, {transform_indices = @transform_1, window_bounds = array<i64: 1, 3, 2048>}, {transform_indices = @transform_2, window_bounds = array<i64: 1, 1>}]} {
    %get3A = arith.constant 0 : index
    %get3A_0 = arith.constant 0 : index
    %get3A_1 = arith.constant 0 : index
    %get3A_2 = vector.load %arg2[%get3A, %get3A_0, %get3A_1] : memref<1x3x1024xf32, #tpu.memory_space<vmem>>, vector<1x3x1024xf32>
    %get3A_3 = vector.shape_cast %get3A_2 : vector<1x3x1024xf32> to vector<3x1024xf32>
    %transpose3A = tpu.transpose %get3A_3, [1, 0] : vector<3x1024xf32> -> vector<1024x3xf32>
    %get3A_4 = arith.constant 0 : index
    %get3A_5 = arith.constant 0 : index
    %get3A_6 = arith.constant 0 : index
    %get3A_7 = vector.load %arg3[%get3A_4, %get3A_5, %get3A_6] : memref<1x3x2048xf32, #tpu.memory_space<vmem>>, vector<1x3x2048xf32>
    %get3A_8 = vector.shape_cast %get3A_7 : vector<1x3x2048xf32> to vector<3x2048xf32>
    %slice3A = vector.extract_strided_slice %get3A_8 {offsets = [0, 0], sizes = [1, 2048], strides = [1, 1]} : vector<3x2048xf32> to vector<1x2048xf32>
    %slice3A_9 = vector.extract_strided_slice %get3A_8 {offsets = [1, 0], sizes = [1, 2048], strides = [1, 1]} : vector<3x2048xf32> to vector<1x2048xf32>
    %slice3A_10 = vector.extract_strided_slice %get3A_8 {offsets = [2, 0], sizes = [1, 2048], strides = [1, 1]} : vector<3x2048xf32> to vector<1x2048xf32>
    %mul3A = arith.mulf %slice3A, %slice3A : vector<1x2048xf32>
    %mul3A_11 = arith.mulf %slice3A_9, %slice3A_9 : vector<1x2048xf32>
    %add3A = arith.addf %mul3A, %mul3A_11 : vector<1x2048xf32>
    %mul3A_12 = arith.mulf %slice3A_10, %slice3A_10 : vector<1x2048xf32>
    %add3A_13 = arith.addf %add3A, %mul3A_12 : vector<1x2048xf32>
    %slice3A_14 = vector.extract_strided_slice %transpose3A {offsets = [0, 0], sizes = [1024, 1], strides = [1, 1]} : vector<1024x3xf32> to vector<1024x1xf32>
    %mul3A_15 = arith.constant -2.000000e+00 : f32
    %mul3A_16 = vector.broadcast %mul3A_15 : f32 to vector<1024x1xf32>
    %mul3A_17 = arith.mulf %mul3A_16, %slice3A_14 : vector<1024x1xf32>
    %mul3A_18 = vector.broadcast %mul3A_17 : vector<1024x1xf32> to vector<1024x2048xf32>
    %mul3A_19 = vector.broadcast %slice3A : vector<1x2048xf32> to vector<1024x2048xf32>
    %mul3A_20 = arith.mulf %mul3A_18, %mul3A_19 : vector<1024x2048xf32>
    %add3A_21 = vector.broadcast %add3A_13 : vector<1x2048xf32> to vector<1024x2048xf32>
    %add3A_22 = arith.addf %add3A_21, %mul3A_20 : vector<1024x2048xf32>
    %slice3A_23 = vector.extract_strided_slice %transpose3A {offsets = [0, 1], sizes = [1024, 1], strides = [1, 1]} : vector<1024x3xf32> to vector<1024x1xf32>
    %mul3A_24 = arith.constant -2.000000e+00 : f32
    %mul3A_25 = vector.broadcast %mul3A_24 : f32 to vector<1024x1xf32>
    %mul3A_26 = arith.mulf %mul3A_25, %slice3A_23 : vector<1024x1xf32>
    %mul3A_27 = vector.broadcast %mul3A_26 : vector<1024x1xf32> to vector<1024x2048xf32>
    %mul3A_28 = vector.broadcast %slice3A_9 : vector<1x2048xf32> to vector<1024x2048xf32>
    %mul3A_29 = arith.mulf %mul3A_27, %mul3A_28 : vector<1024x2048xf32>
    %add3A_30 = arith.addf %add3A_22, %mul3A_29 : vector<1024x2048xf32>
    %slice3A_31 = vector.extract_strided_slice %transpose3A {offsets = [0, 2], sizes = [1024, 1], strides = [1, 1]} : vector<1024x3xf32> to vector<1024x1xf32>
    %mul3A_32 = arith.constant -2.000000e+00 : f32
    %mul3A_33 = vector.broadcast %mul3A_32 : f32 to vector<1024x1xf32>
    %mul3A_34 = arith.mulf %mul3A_33, %slice3A_31 : vector<1024x1xf32>
    %mul3A_35 = vector.broadcast %mul3A_34 : vector<1024x1xf32> to vector<1024x2048xf32>
    %mul3A_36 = vector.broadcast %slice3A_10 : vector<1x2048xf32> to vector<1024x2048xf32>
    %mul3A_37 = arith.mulf %mul3A_35, %mul3A_36 : vector<1024x2048xf32>
    %add3A_38 = arith.addf %add3A_30, %mul3A_37 : vector<1024x2048xf32>
    %reduce_min3A = arith.constant dense<0x7F800000> : vector<1024xf32>
    %reduce_min3A_39 = vector.multi_reduction <minimumf>, %add3A_38, %reduce_min3A [1] : vector<1024x2048xf32> to vector<1024xf32>
    %mul3A_40 = arith.mulf %transpose3A, %transpose3A : vector<1024x3xf32>
    %reduce_sum3A = arith.constant dense<0.000000e+00> : vector<1024xf32>
    %reduce_sum3A_41 = vector.multi_reduction <add>, %mul3A_40, %reduce_sum3A [1] : vector<1024x3xf32> to vector<1024xf32>
    %add3A_42 = arith.addf %reduce_min3A_39, %reduce_sum3A_41 : vector<1024xf32>
    %max3A = arith.constant 0.000000e+00 : f32
    %max3A_43 = vector.broadcast %max3A : f32 to vector<1024xf32>
    %max3A_44 = arith.maximumf %add3A_42, %max3A_43 : vector<1024xf32>
    %sqrt3A = math.sqrt %max3A_44 : vector<1024xf32>
    %reduce_sum3A_45 = vector.shape_cast %sqrt3A : vector<1024xf32> to vector<1x1024xf32>
    %reduce_sum3A_46 = arith.constant dense<0.000000e+00> : vector<1xf32>
    %reduce_sum3A_47 = vector.multi_reduction <add>, %reduce_sum3A_45, %reduce_sum3A_46 [1] : vector<1x1024xf32> to vector<1xf32>
    %reduce_sum3A_48 = vector.shape_cast %reduce_sum3A_47 : vector<1xf32> to vector<1x1xf32>
    %reduce_sum3A_49 = vector.extract %reduce_sum3A_48[0, 0] : f32 from vector<1x1xf32>
    %mul3A_50 = arith.constant 1.22070313E-4 : f32
    %mul3A_51 = arith.mulf %reduce_sum3A_49, %mul3A_50 : f32
    %eq3A = arith.constant 0 : i32
    %eq3A_52 = arith.cmpi eq, %arg0, %eq3A : i32
    %eq3A_53 = arith.constant 0 : i32
    %eq3A_54 = arith.cmpi eq, %arg1, %eq3A_53 : i32
    %and3A = arith.andi %eq3A_52, %eq3A_54 : i1
    %convert_element_type3A = arith.extui %and3A : i1 to i32
    %cond3A = arith.constant 0 : i32
    %cond3A_55 = arith.cmpi ne, %convert_element_type3A, %cond3A : i32
    scf.if %cond3A_55 {
      %swap3A_62 = arith.constant 0.000000e+00 : f32
      %swap3A_63 = arith.constant 0 : index
      %swap3A_64 = arith.constant 0 : index
      %swap3A_65 = memref.load %arg4[%swap3A_63, %swap3A_64] : memref<1x1xf32, #tpu.memory_space<smem>>
      memref.store %swap3A_62, %arg4[%swap3A_63, %swap3A_64] : memref<1x1xf32, #tpu.memory_space<smem>>
    } else {
    }
    %get3A_56 = arith.constant 0 : index
    %get3A_57 = arith.constant 0 : index
    %get3A_58 = memref.load %arg4[%get3A_56, %get3A_57] : memref<1x1xf32, #tpu.memory_space<smem>>
    %add3A_59 = arith.addf %get3A_58, %mul3A_51 : f32
    %swap3A = arith.constant 0 : index
    %swap3A_60 = arith.constant 0 : index
    %swap3A_61 = memref.load %arg4[%swap3A, %swap3A_60] : memref<1x1xf32, #tpu.memory_space<smem>>
    memref.store %add3A_59, %arg4[%swap3A, %swap3A_60] : memref<1x1xf32, #tpu.memory_space<smem>>
    return
  }
  func.func @transform_0(%arg0: i32, %arg1: i32) -> (i32, i32, i32) {
    %add3A = arith.constant 0 : i32
    %add3A_0 = arith.addi %arg1, %add3A : i32
    %c0_i32 = arith.constant 0 : i32
    %c0_i32_1 = arith.constant 0 : i32
    return %arg0, %c0_i32, %add3A_0 : i32, i32, i32
  }
  func.func @transform_1(%arg0: i32, %arg1: i32) -> (i32, i32, i32) {
    %c0_i32 = arith.constant 0 : i32
    %c0_i32_0 = arith.constant 0 : i32
    %c0_i32_1 = arith.constant 0 : i32
    return %arg0, %c0_i32, %c0_i32_0 : i32, i32, i32
  }
  func.func @transform_2(%arg0: i32, %arg1: i32) -> (i32, i32) {
    %c0_i32 = arith.constant 0 : i32
    %c0_i32_0 = arith.constant 0 : i32
    %c0_i32_1 = arith.constant 0 : i32
    return %c0_i32, %c0_i32_0 : i32, i32
  }
}

module attributes {stable_mosaic.version = 14 : i64} {
  func.func @_tc_nn_body(%arg0: i32, %arg1: i32, %arg2: memref<1x3x1024xf32, #tpu.memory_space<vmem>>, %arg3: memref<1x3x2048xf32, #tpu.memory_space<vmem>>, %arg4: memref<1x1xf32, #tpu.memory_space<smem>>) attributes {dimension_semantics = [#tpu.dimension_semantics<arbitrary>, #tpu.dimension_semantics<arbitrary>], iteration_bounds = array<i64: 4, 1>, scalar_prefetch = 0 : i64, scratch_operands = 0 : i64, tpu.core_type = #tpu.core_type<tc>, window_params = [{transform_indices = @transform_0, window_bounds = array<i64: 1, 3, 1024>}, {transform_indices = @transform_1, window_bounds = array<i64: 1, 3, 2048>}, {transform_indices = @transform_2, window_bounds = array<i64: 1, 1>}]} {
    %get3A = arith.constant 0 : index
    %get3A_0 = arith.constant 0 : index
    %get3A_1 = arith.constant 0 : index
    %get3A_2 = vector.load %arg2[%get3A, %get3A_0, %get3A_1] : memref<1x3x1024xf32, #tpu.memory_space<vmem>>, vector<1x3x1024xf32>
    %get3A_3 = vector.shape_cast %get3A_2 : vector<1x3x1024xf32> to vector<3x1024xf32>
    %transpose3A = tpu.transpose %get3A_3, [1, 0] : vector<3x1024xf32> -> vector<1024x3xf32>
    %get3A_4 = arith.constant 0 : index
    %get3A_5 = arith.constant 0 : index
    %get3A_6 = arith.constant 0 : index
    %get3A_7 = vector.load %arg3[%get3A_4, %get3A_5, %get3A_6] : memref<1x3x2048xf32, #tpu.memory_space<vmem>>, vector<1x3x2048xf32>
    %get3A_8 = vector.shape_cast %get3A_7 : vector<1x3x2048xf32> to vector<3x2048xf32>
    %slice3A = vector.extract_strided_slice %get3A_8 {offsets = [0, 0], sizes = [1, 2048], strides = [1, 1]} : vector<3x2048xf32> to vector<1x2048xf32>
    %slice3A_9 = vector.extract_strided_slice %get3A_8 {offsets = [1, 0], sizes = [1, 2048], strides = [1, 1]} : vector<3x2048xf32> to vector<1x2048xf32>
    %slice3A_10 = vector.extract_strided_slice %get3A_8 {offsets = [2, 0], sizes = [1, 2048], strides = [1, 1]} : vector<3x2048xf32> to vector<1x2048xf32>
    %mul3A = arith.mulf %slice3A, %slice3A : vector<1x2048xf32>
    %mul3A_11 = arith.mulf %slice3A_9, %slice3A_9 : vector<1x2048xf32>
    %add3A = arith.addf %mul3A, %mul3A_11 : vector<1x2048xf32>
    %mul3A_12 = arith.mulf %slice3A_10, %slice3A_10 : vector<1x2048xf32>
    %add3A_13 = arith.addf %add3A, %mul3A_12 : vector<1x2048xf32>
    %slice3A_14 = vector.extract_strided_slice %transpose3A {offsets = [0, 0], sizes = [1024, 1], strides = [1, 1]} : vector<1024x3xf32> to vector<1024x1xf32>
    %mul3A_15 = arith.constant -2.000000e+00 : f32
    %mul3A_16 = vector.broadcast %mul3A_15 : f32 to vector<1024x1xf32>
    %mul3A_17 = arith.mulf %mul3A_16, %slice3A_14 : vector<1024x1xf32>
    %mul3A_18 = vector.broadcast %mul3A_17 : vector<1024x1xf32> to vector<1024x2048xf32>
    %mul3A_19 = vector.broadcast %slice3A : vector<1x2048xf32> to vector<1024x2048xf32>
    %mul3A_20 = arith.mulf %mul3A_18, %mul3A_19 : vector<1024x2048xf32>
    %add3A_21 = vector.broadcast %add3A_13 : vector<1x2048xf32> to vector<1024x2048xf32>
    %add3A_22 = arith.addf %add3A_21, %mul3A_20 : vector<1024x2048xf32>
    %slice3A_23 = vector.extract_strided_slice %transpose3A {offsets = [0, 1], sizes = [1024, 1], strides = [1, 1]} : vector<1024x3xf32> to vector<1024x1xf32>
    %mul3A_24 = arith.constant -2.000000e+00 : f32
    %mul3A_25 = vector.broadcast %mul3A_24 : f32 to vector<1024x1xf32>
    %mul3A_26 = arith.mulf %mul3A_25, %slice3A_23 : vector<1024x1xf32>
    %mul3A_27 = vector.broadcast %mul3A_26 : vector<1024x1xf32> to vector<1024x2048xf32>
    %mul3A_28 = vector.broadcast %slice3A_9 : vector<1x2048xf32> to vector<1024x2048xf32>
    %mul3A_29 = arith.mulf %mul3A_27, %mul3A_28 : vector<1024x2048xf32>
    %add3A_30 = arith.addf %add3A_22, %mul3A_29 : vector<1024x2048xf32>
    %slice3A_31 = vector.extract_strided_slice %transpose3A {offsets = [0, 2], sizes = [1024, 1], strides = [1, 1]} : vector<1024x3xf32> to vector<1024x1xf32>
    %mul3A_32 = arith.constant -2.000000e+00 : f32
    %mul3A_33 = vector.broadcast %mul3A_32 : f32 to vector<1024x1xf32>
    %mul3A_34 = arith.mulf %mul3A_33, %slice3A_31 : vector<1024x1xf32>
    %mul3A_35 = vector.broadcast %mul3A_34 : vector<1024x1xf32> to vector<1024x2048xf32>
    %mul3A_36 = vector.broadcast %slice3A_10 : vector<1x2048xf32> to vector<1024x2048xf32>
    %mul3A_37 = arith.mulf %mul3A_35, %mul3A_36 : vector<1024x2048xf32>
    %add3A_38 = arith.addf %add3A_30, %mul3A_37 : vector<1024x2048xf32>
    %reduce_min3A = arith.constant dense<0x7F800000> : vector<1024xf32>
    %reduce_min3A_39 = vector.multi_reduction <minimumf>, %add3A_38, %reduce_min3A [1] : vector<1024x2048xf32> to vector<1024xf32>
    %mul3A_40 = arith.mulf %transpose3A, %transpose3A : vector<1024x3xf32>
    %reduce_sum3A = arith.constant dense<0.000000e+00> : vector<1024xf32>
    %reduce_sum3A_41 = vector.multi_reduction <add>, %mul3A_40, %reduce_sum3A [1] : vector<1024x3xf32> to vector<1024xf32>
    %add3A_42 = arith.addf %reduce_min3A_39, %reduce_sum3A_41 : vector<1024xf32>
    %max3A = arith.constant 0.000000e+00 : f32
    %max3A_43 = vector.broadcast %max3A : f32 to vector<1024xf32>
    %max3A_44 = arith.maximumf %add3A_42, %max3A_43 : vector<1024xf32>
    %sqrt3A = math.sqrt %max3A_44 : vector<1024xf32>
    %reduce_sum3A_45 = vector.shape_cast %sqrt3A : vector<1024xf32> to vector<1x1024xf32>
    %reduce_sum3A_46 = arith.constant dense<0.000000e+00> : vector<1xf32>
    %reduce_sum3A_47 = vector.multi_reduction <add>, %reduce_sum3A_45, %reduce_sum3A_46 [1] : vector<1x1024xf32> to vector<1xf32>
    %reduce_sum3A_48 = vector.shape_cast %reduce_sum3A_47 : vector<1xf32> to vector<1x1xf32>
    %reduce_sum3A_49 = vector.extract %reduce_sum3A_48[0, 0] : f32 from vector<1x1xf32>
    %mul3A_50 = arith.constant 1.22070313E-4 : f32
    %mul3A_51 = arith.mulf %reduce_sum3A_49, %mul3A_50 : f32
    %eq3A = arith.constant 0 : i32
    %eq3A_52 = arith.cmpi eq, %arg0, %eq3A : i32
    %eq3A_53 = arith.constant 0 : i32
    %eq3A_54 = arith.cmpi eq, %arg1, %eq3A_53 : i32
    %and3A = arith.andi %eq3A_52, %eq3A_54 : i1
    %convert_element_type3A = arith.extui %and3A : i1 to i32
    %cond3A = arith.constant 0 : i32
    %cond3A_55 = arith.cmpi ne, %convert_element_type3A, %cond3A : i32
    scf.if %cond3A_55 {
      %swap3A_62 = arith.constant 0.000000e+00 : f32
      %swap3A_63 = arith.constant 0 : index
      %swap3A_64 = arith.constant 0 : index
      %swap3A_65 = memref.load %arg4[%swap3A_63, %swap3A_64] : memref<1x1xf32, #tpu.memory_space<smem>>
      memref.store %swap3A_62, %arg4[%swap3A_63, %swap3A_64] : memref<1x1xf32, #tpu.memory_space<smem>>
    } else {
    }
    %get3A_56 = arith.constant 0 : index
    %get3A_57 = arith.constant 0 : index
    %get3A_58 = memref.load %arg4[%get3A_56, %get3A_57] : memref<1x1xf32, #tpu.memory_space<smem>>
    %add3A_59 = arith.addf %get3A_58, %mul3A_51 : f32
    %swap3A = arith.constant 0 : index
    %swap3A_60 = arith.constant 0 : index
    %swap3A_61 = memref.load %arg4[%swap3A, %swap3A_60] : memref<1x1xf32, #tpu.memory_space<smem>>
    memref.store %add3A_59, %arg4[%swap3A, %swap3A_60] : memref<1x1xf32, #tpu.memory_space<smem>>
    return
  }
  func.func @transform_0(%arg0: i32, %arg1: i32) -> (i32, i32, i32) {
    %add3A = arith.constant 1 : i32
    %add3A_0 = arith.addi %arg1, %add3A : i32
    %c0_i32 = arith.constant 0 : i32
    %c0_i32_1 = arith.constant 0 : i32
    return %arg0, %c0_i32, %add3A_0 : i32, i32, i32
  }
  func.func @transform_1(%arg0: i32, %arg1: i32) -> (i32, i32, i32) {
    %c0_i32 = arith.constant 0 : i32
    %c0_i32_0 = arith.constant 0 : i32
    %c0_i32_1 = arith.constant 0 : i32
    return %arg0, %c0_i32, %c0_i32_0 : i32, i32, i32
  }
  func.func @transform_2(%arg0: i32, %arg1: i32) -> (i32, i32) {
    %c0_i32 = arith.constant 0 : i32
    %c0_i32_0 = arith.constant 0 : i32
    %c0_i32_1 = arith.constant 0 : i32
    return %c0_i32, %c0_i32_0 : i32, i32
  }
}

module attributes {stable_mosaic.version = 14 : i64} {
  func.func @_tc_sqrtsum_body(%arg0: memref<16x256xf32, #tpu.memory_space<vmem>>, %arg1: memref<1x1xf32, #tpu.memory_space<smem>>) attributes {dimension_semantics = [], scalar_prefetch = 0 : i64, scratch_operands = 0 : i64, tpu.core_type = #tpu.core_type<tc>} {
    %get3A = arith.constant 0 : index
    %get3A_0 = arith.constant 0 : index
    %get3A_1 = vector.load %arg0[%get3A, %get3A_0] : memref<16x256xf32, #tpu.memory_space<vmem>>, vector<16x256xf32>
    %max3A = arith.constant 0.000000e+00 : f32
    %max3A_2 = vector.broadcast %max3A : f32 to vector<16x256xf32>
    %max3A_3 = arith.maximumf %get3A_1, %max3A_2 : vector<16x256xf32>
    %sqrt3A = math.sqrt %max3A_3 : vector<16x256xf32>
    %reduce_sum3A = vector.shape_cast %sqrt3A : vector<16x256xf32> to vector<1x16x256xf32>
    %reduce_sum3A_4 = arith.constant dense<0.000000e+00> : vector<1xf32>
    %reduce_sum3A_5 = vector.multi_reduction <add>, %reduce_sum3A, %reduce_sum3A_4 [1, 2] : vector<1x16x256xf32> to vector<1xf32>
    %reduce_sum3A_6 = vector.shape_cast %reduce_sum3A_5 : vector<1xf32> to vector<1x1x1xf32>
    %reduce_sum3A_7 = vector.extract %reduce_sum3A_6[0, 0, 0] : f32 from vector<1x1x1xf32>
    %mul3A = arith.constant 1.22070313E-4 : f32
    %mul3A_8 = arith.mulf %reduce_sum3A_7, %mul3A : f32
    %swap3A = arith.constant 0 : index
    %swap3A_9 = arith.constant 0 : index
    %swap3A_10 = memref.load %arg1[%swap3A, %swap3A_9] : memref<1x1xf32, #tpu.memory_space<smem>>
    memref.store %mul3A_8, %arg1[%swap3A, %swap3A_9] : memref<1x1xf32, #tpu.memory_space<smem>>
    return
  }
}

</mosaic_0001>

<sc_bundles>
// kernel: kernel.6.cloned.1.call-start
scs
__scs_entry_jumppad:
0x0: {  	(pc) =	sbr.rel $0x88, $3  }
0x1: {  	(tag) =	ssettag $0x0;
	lr =	simm.s32 $0x1  }
0x2: {  	[smem:$0x3F9F] =	sst lr;
	_ =	strace $0xD0000000  }
0x3: {  	_ = 	snop  }
0x4: {  	_ = 	snop  }
0x5: {  	_ = 	snop  }
0x6: {  	_ = 	snop  }
0x7: {  	_ = 	snop  }
__scs_overlays_trampoline_lowered:
0x8: {  	[smem:$0x3FAE] =	sst s0  }
0x9: {  	[smem:$0x3FAF] =	sst s1  }
0xa: {  	[smem:$0x3FB0] =	sst s2  }
0xb: {  	[smem:$0x3FB1] =	sst s3  }
0xc: {  	[smem:$0x3FB2] =	sst s4  }
0xd: {  	[smem:$0x3FB3] =	sst s5  }
0xe: {  	[smem:$0x3FB4] =	sst s6  }
0xf: {  	[smem:$0x3FB5] =	sst s7  }
0x10: {  	[smem:$0x3FB6] =	sst s8  }
0x11: {  	[smem:$0x3FB7] =	sst s9;
	s0 =	simm.s32 @!p0 $0x0  }
0x12: {  	s1 =	sld [smem:$0x3F9D];
	s0 =	simm.s32 @p0 $0x1  }
0x13: {  	[smem:$0x3FB8] =	sst s0;
	s0 =	simm.s32 @!p1 $0x0  }
0x14: {  	s2 =	sld [smem:$0x3F9C];
	s0 =	simm.s32 @p1 $0x1  }
0x15: {  	[smem:$0x3FB9] =	sst s0;
	s0 =	simm.s32 @!p2 $0x0  }
0x16: {  	s3 =	sld [smem:$0x3FDB];
	s0 =	simm.s32 @p2 $0x1  }
0x17: {  	s4 =	simm.s32 $0x1BF5;
	[smem:$0x3FBB] =	sst s0  }
0x18: {  	s0 =	sld [smem:$0x3F9E];
	_ =	swait.ge [sflag:s4], $0x0  }
0x19: {  	s7 =	sld [smem:$0x3F9F]  }
0x1a: {  	s8 =	sadd.s32 $0xFFFFE003, lr  }
0x1b: {  	s9 =	sadd.s32 $0xFFFFFEF7, lr;
	s5 =	simm.s32 $0xFFFFFFFF;
	p2 =	slt.u32 s8, $0xFFFFF086  }
0x1c: {  	p1 =	slt.u32 s9, $0xF7A;
	s5 =	simm.s32 @!p2 $0x0  }
0x1d: {  	s5 =	simm.s32 @p1 $0x1;
	p0 =	seq.s32 s7, s2  }
0x1e: {  	s7 =	smul.u32 @!p0 $0xF7A, s2;
	p2 =	seq.s32 @!p0 s5, $0x0  }
0x1f: {  	s9 =	smul.u32 $0xF7A, s1;
	s8 =	simm.s32 @!p0 $0x1BF5;
	p2 =	por !p2, p0  }
0x20: {  	[sflag:s8] =	ssyncset.s32 @!p0 $0xFFFFF086;
	s6 =	sadd.s32 @!p0 s3, s7;
	s7 =	simm.s32 @!p0 $0x108  }
0x21: {  	s3 =	sadd.s32 s3, s9;
	s6 =	sadd.s32 @!p0 $0x88, s6;
	s7 =	simm.s32 @p2 $0x1082  }
0x22: {  	[simem:s7], [sflag:s8] =	dma.local @!p0 [hbm:s6], $0xF7A  }
0x23: {  	s9 =	sor.u32 $0xD0000000, s2;
	s6 =	simm.s32 $0x108;
	_ =	swait.ge @!p0 [sflag:s8], $0x0  }
0x24: {  	s3 =	sadd.s32 $0x88, s3;
	s6 =	simm.s32 @!p1 $0x1082;
	[sflag:s4] =	ssyncset.s32 $0xFFFFF086  }
0x25: {  	[simem:s6], [sflag:s4] =	dma.local [hbm:s3], $0xF7A  }
0x26: {  	[smem:$0x3F9F] =	sst s1;
	(tag) =	ssettag s2;
	_ =	strace s9  }
0x27: {  	s1 =	sld [smem:$0x3FAF]  }
0x28: {  	s2 =	sld [smem:$0x3FB0]  }
0x29: {  	s4 =	sld [smem:$0x3FB2]  }
0x2a: {  	p0 =	seq.s32 s5, $0x0;
	s5 =	sld [smem:$0x3FB3]  }
0x2b: {  	s6 =	sld [smem:$0x3FB4]  }
0x2c: {  	s7 =	sld [smem:$0x3FB5]  }
0x2d: {  	s3 =	simm.s32 $0x108;
	s8 =	sld [smem:$0x3FB6]  }
0x2e: {  	s3 =	simm.s32 @!p0 $0x1082;
	s9 =	sld [smem:$0x3FB7]  }
0x2f: {  	lr =	sadd.s32 s0, s3;
	s0 =	sld [smem:$0x3FAE]  }
0x30: {  	s3 =	sld [smem:$0x3FB1]  }
0x31: {  	[smem:$0x3FBA] =	sst s10  }
0x32: {  	s10 =	sld [smem:$0x3FB8];
	_ =	sdelay $0x3  }
0x33: {  	p0 =	seq.s32 s10, $0x1;
	s10 =	sld [smem:$0x3FBA];
	_ =	sdelay $0x3  }
0x34: {  	[smem:$0x3FBA] =	sst s10  }
0x35: {  	s10 =	sld [smem:$0x3FB9];
	_ =	sdelay $0x3  }
0x36: {  	p1 =	seq.s32 s10, $0x1;
	s10 =	sld [smem:$0x3FBA];
	_ =	sdelay $0x3  }
0x37: {  	[smem:$0x3FBA] =	sst s10  }
0x38: {  	s10 =	sld [smem:$0x3FBB]  }
0x39: {  	_ = 	snop;
	(pc) =	sbr.ind lr, $3  }
0x3a: {  	_ = 	snop  }
0x3b: {  	_ = 	snop  }
0x3c: {  	p2 =	seq.s32 s10, $0x1;
	s10 =	sld [smem:$0x3FBA]  }
0x3d: {  	_ =	shalt  }
0x3e: {  	_ =	shalt  }
0x3f: {  	_ =	shalt  }
0x40: {  	_ =	shalt  }
0x41: {  	_ =	shalt  }
0x42: {  	_ =	shalt  }
0x43: {  	_ =	shalt  }
0x44: {  	_ =	shalt  }
0x45: {  	_ =	shalt  }
0x46: {  	_ =	shalt  }
0x47: {  	_ =	shalt  }
0x48: {  	_ =	shalt  }
0x49: {  	_ =	shalt  }
0x4a: {  	_ =	shalt  }
0x4b: {  	_ =	shalt  }
0x4c: {  	_ =	shalt  }
0x4d: {  	_ =	shalt  }
0x4e: {  	_ =	shalt  }
0x4f: {  	_ =	shalt  }
0x50: {  	_ =	shalt  }
0x51: {  	_ =	shalt  }
0x52: {  	_ =	shalt  }
0x53: {  	_ =	shalt  }
0x54: {  	_ =	shalt  }
0x55: {  	_ =	shalt  }
0x56: {  	_ =	shalt  }
0x57: {  	_ =	shalt  }
0x58: {  	_ =	shalt  }
0x59: {  	_ =	shalt  }
0x5a: {  	_ =	shalt  }
0x5b: {  	_ =	shalt  }
0x5c: {  	_ =	shalt  }
0x5d: {  	_ =	shalt  }
0x5e: {  	_ =	shalt  }
0x5f: {  	_ =	shalt  }
0x60: {  	_ =	shalt  }
0x61: {  	_ =	shalt  }
0x62: {  	_ =	shalt  }
0x63: {  	_ =	shalt  }
0x64: {  	_ =	shalt  }
0x65: {  	_ =	shalt  }
0x66: {  	_ =	shalt  }
0x67: {  	_ =	shalt  }
0x68: {  	_ =	shalt  }
0x69: {  	_ =	shalt  }
0x6a: {  	_ =	shalt  }
0x6b: {  	_ =	shalt  }
0x6c: {  	_ =	shalt  }
0x6d: {  	_ =	shalt  }
0x6e: {  	_ =	shalt  }
0x6f: {  	_ =	shalt  }
0x70: {  	_ =	shalt  }
0x71: {  	_ =	shalt  }
0x72: {  	_ =	shalt  }
0x73: {  	_ =	shalt  }
0x74: {  	_ =	shalt  }
0x75: {  	_ =	shalt  }
0x76: {  	_ =	shalt  }
0x77: {  	_ =	shalt  }
0x78: {  	_ =	shalt  }
0x79: {  	_ =	shalt  }
0x7a: {  	_ =	shalt  }
0x7b: {  	_ =	shalt  }
0x7c: {  	_ =	shalt  }
0x7d: {  	_ =	shalt  }
0x7e: {  	_ =	shalt  }
0x7f: {  	_ =	shalt  }
0x80: {  	_ =	shalt  }
0x81: {  	_ =	shalt  }
0x82: {  	_ =	shalt  }
0x83: {  	_ =	shalt  }
0x84: {  	_ =	shalt  }
0x85: {  	_ =	shalt  }
0x86: {  	_ =	shalt  }
0x87: {  	_ =	shalt  }
.Lfunc_end0:
.L_simem_size_0:
called_computation_lowered:
.L_overlay_start_0:
0x88: {  	s2 =	sld [smem:$0x3FD9]  }
0x89: {  	s3 =	sld [smem:$0x3FFE];
	_ =	sdelay $0x1  }
0x8a: {  	s1 =	srdreg.scid  }
0x8b: {  	s0 =	sand.u32 $0x1, s1  }
0x8c: {  	s16 =	sshll.u32 s0, $0xA;
	s2 =	sadd.s32 s3, s2  }
0x8d: {  	s2 =	sadd.s32 s2, s16  }
0x8e: {  	[smem:$0x3FC6] =	sst s2  }
0x8f: {  	_ = 	snop  }
0x90: {  	(tm) =	ssettm $0x1  }
0x91: {  	s17 =	sld [smem:$0x3FFB];
	_ =	sdelay $0x3  }
0x92: {  	_ =	strace s17  }
0x93: {  	s2 =	sld [smem:$0x3FFC];
	_ =	sdelay $0x3  }
0x94: {  	_ =	strace s2  }
0x95: {  	s2 =	sld [smem:$0x3FFD];
	_ =	sdelay $0x3  }
0x96: {  	_ =	strace s2  }
0x97: {  	_ =	strace $0x8FFFFFFF  }
0x98: {  	s18 =	sld [smem:$0x3FDB];
	_ =	sdelay $0x1  }
0x99: {  	s19 =	simm.s32 $_scs_section_size  }
0x9a: {  	s4 =	simm.s32 $_size__tile_overlayer_lowered;
	s5 =	simm.s32 $_tile_overlayer_lowered  }
0x9b: {  	s22 =	simm.s32 $0x1BFF;
	s21 =	sshll.u32 s5, $0x1;
	s2 =	sadd.s32 s19, s18  }
0x9c: {  	s6 =	simm.s32 $0x0;
	s20 =	sshll.u32 s4, $0x1;
	s4 =	sadd.s32 s21, s2  }
0x9d: {  	[timem:s6], [sflag:s22] =	dma.local [hbm:s4], s20  }
0x9e: {  	_ =	swait.ge [sflag:s22], s20  }
0x9f: {  	s3 =	ssub.s32 $0x0, s20;
	[sflag:s22] =	ssyncset.done $0x0  }
0xa0: {  	[sflag:s22] =	ssyncadd.s32 s3;
	_ =	sdelay $0x1  }
0xa1: {  	s23 =	simm.s32 $0x1B8B  }
0xa2: {  	_ =	swait.ge [sflag:s23], $0x1  }
0xa3: {  	[sflag:s23] =	ssyncset.done $0x0  }
0xa4: {  	s25 =	simm.s32 $0x1B8E;
	s24 =	sld [smem:$0x3FFE];
	[sflag:s23] =	ssyncadd.s32 $0xFFFFFFFF  }
0xa5: {  	s26 =	simm.s32 $execute0_lowered;
	[smem:$0x3FD2] =	sst s25  }
0xa6: {  	s4 =	sshll.u32 s26, $0x1;
	_ =	strace $0x80000046;
	[dreg:$0x1] =	wrdreg $0xFFFFFFFF  }
0xa7: {  	s28 =	simm.s32 $_size_execute0_lowered;
	s2 =	sadd.s32 s2, s4;
	[dreg:$0x0] =	wrdreg $0x0  }
0xa8: {  	s4 =	sshll.u32 s28, $0x1;
	[dreg:$0x2] =	wrdreg s2  }
0xa9: {  	[dreg:$0x3] =	wrdreg s4  }
0xaa: {  	[dreg:$0x4] =	wrdreg $0xC0  }
0xab: {  	_ =	task [dreg:s6], $0x5FFFF  }
0xac: {  	[dreg:$0x1] =	wrdreg $0xFFFFFFFF  }
0xad: {  	[dreg:$0x0] =	wrdreg $0x60  }
0xae: {  	[dreg:$0x2] =	wrdreg s24  }
0xaf: {  	[dreg:$0x3] =	wrdreg $0x9  }
0xb0: {  	_ =	task.clear_ibuf [dreg:s6], $0x4FFFF;
	_ =	strace $0x90000046  }
0xb1: {  	s29 =	simm.s32 $0x9;
	_ =	strace $0x80000048  }
0xb2: {  	_ =	swait.ge [sflag:s29], $0x1  }
0xb3: {  	[sflag:s29] =	ssyncadd.s32 $0xFFFFFFFF  }
0xb4: {  	_ =	strace $0x90000048  }
0xb5: {  	_ =	sfence  }
0xb6: {  	s30 =	sld [smem:$0x0];
	_ =	sdelay $0x2  }
0xb7: {  	s31 =	sshll.u32 s1, $0xD;
	s1 =	sshrl.u32 s1, $0x2  }
0xb8: {  	s3 =	sand.u32 $0x4000, s31;
	s1 =	sadd.s32 s1, s30  }
0xb9: {  	s0 =	sor.u32 s3, s0;
	s1 =	sshll.u32 s1, $0x11  }
0xba: {  	s0 =	sor.u32 s1, s0  }
0xbb: {  	s0 =	sadd.s32 $0x8F2B, s0  }
0xbc: {  	[sflag:s0] =	ssyncadd.remote.s32 $0x1  }
0xbd: {  	_ =	sfence.sel $0xFFFF  }
0xbe: {  	[dreg:$0x0] =	wrdreg $0xFFFFFFFF;
	(pc) =	sbr.abs _section_cstart, $3  }
0xbf: {  	[dreg:$0x1] =	wrdreg $0xFFFFFFFF  }
0xc0: {  	_ =	task.clear_ibuf [dreg:s6], $0x2FFFF;
	_ =	strace $0x9FFFFFFF  }
0xc1: {  	(tm) =	ssettm $0x7FFFFFFF  }
tec
execute0_lowered:
.L_overlay_start_1:
0x0: {  	(tag) =	ssettag $0x1  }
0x1: {  	s0 =	srdreg.scid  }
0x2: {  	s5 =	sand.u32 $0x1, s0  }
0x3: {  	s0 =	stileid.u32;
	s1 =	sshll.u32 s5, $0x4  }
0x4: {  	s4 =	sand.u32 $0x7, s0;
	s3 =	sor.u32 s0, s1  }
0x5: {  	p1 =	sne.s32 s4, $0x0;
	p0 =	seq.s32 s3, $0x0  }
0x6: {  	s6 =	rddreg [dreg:$0x0];
	s7 =	simm.s32 $0x1;
	p0 =	por !p1, !p0  }
0x7: {  	s2 =	simm.s32 $0x0;
	s10 =	simm.s32 $0x3800;
	p0 =	por !p0, !p0  }
0x8: {  	s11 =	simm.s32 $0x0;
	s3 =	sshrl.u32 s3, $0x3;
	s7 =	simm.s32 @!p0 $0x0  }
0x9: {  	[smem:$0x7FF] =	sst s2;
	s5 =	ssub.s32 $0x2, s5;
	s7 =	ssub.s32 s3, s7  }
0xa: {  	s1 =	rddreg [dreg:$0x1];
	_ =	strace $0x80000047;
	s8 =	smul.u32 $0x1800, s7  }
0xb: {  	s4 =	sshll.u32 s4, $0x7;
	s9 =	sshrl.u32 s5, $0x1;
	s7 =	sshll.u32 s7, $0xA  }
0xc: {  	s9 =	ssub.s32 s5, s9;
	s7 =	sor.u32 s4, s7;
	s8 =	sshrl.u32 s8, $0x3  }
0xd: {  	v0 =	vimm.s32 $0x0;
	vm0 =	vcmask $0x300;
	s3 =	simm.s32 $0x1;
	s7 =	sshrl.u32 s7, $0x3;
	s8 =	sadd.s32 s8, s6  }
0xe: {  	v0 =	vsel vm0, $0x3, v0;
	s7 =	sadd.s32 s7, s6;
	s5 =	sadd.s32 $0x600, s8;
	s6 =	sadd.s32 $0x1200, s8  }
0xf: {  	[tilespmem:$0x1FFF0] =	vst v0;
	s7 =	sadd.s32 $0x1E00, s7;
	s8 =	smax.u32 s9, $0x1;
	s9 =	simm.s32 $0x1800  }
.LBB2_1:
0x10: {  	[tilespmem:s9], [sflag:$0x1] =	stream.linear.gather [hbm4b:s5+s2], $0x1800, $0x38;
	[tilespmem:$0x3880] =	vst v63  }
0x11: {  	_ =	swait.ge [sflag:s3], $0x1800  }
0x12: {  	[sflag:s3] =	ssyncset.done $0x0  }
0x13: {  	[sflag:s3] =	ssyncadd.s32 $0xFFFFE800  }
0x14: {  	[tilespmem:s2], [sflag:$0x1] =	stream.linear.gather [hbm4b:s6+s2], $0x1800, $0x38;
	[tilespmem:$0x3880] =	vst v63  }
0x15: {  	_ =	swait.ge [sflag:s3], $0x1800  }
0x16: {  	[sflag:s3] =	ssyncset.done $0x0  }
0x17: {  	s13 =	simm.s32 $0x2010;
	[sflag:s3] =	ssyncadd.s32 $0xFFFFE800  }
0x18: {  	v0 =	vld [tilespmem:s13+$0xFFFFF7F0]  }
0x19: {  	v1 =	vld [tilespmem:s13+$0xFFFFFFF0];
	_ =	sdelay $0x1  }
0x1a: {  	v2 =	vld [tilespmem:s13+$0x7F0];
	_ =	sdelay $0x2  }
0x1b: {  	v0 =	vmul.f32 v0, v0;
	v1 =	vmul.f32 v1, v1;
	_ =	sdelay $0x1  }
0x1c: {  	v0 =	vadd.f32 v1, v0;
	v1 =	vmul.f32 v2, v2;
	_ =	sdelay $0x1  }
0x1d: {  	v0 =	vadd.f32 v1, v0;
	_ =	sdelay $0x1  }
0x1e: {  	v0 =	vmul.f32 $5.000000000e-01, v0  }
0x1f: {  	s14 =	simm.s32 $0x3010  }
0x20: {  	[tilespmem:s14+$0xFFFFFFF0] =	vst v0  }
0x21: {  	v0 =	vld [tilespmem:s13+$0x0]  }
0x22: {  	v1 =	vld [tilespmem:s13+$0xFFFFF800];
	_ =	sdelay $0x1  }
0x23: {  	v2 =	vld [tilespmem:s13+$0x800];
	_ =	sdelay $0x2  }
0x24: {  	v0 =	vmul.f32 v0, v0;
	v1 =	vmul.f32 v1, v1;
	_ =	sdelay $0x1  }
0x25: {  	v2 =	vmul.f32 v2, v2;
	v0 =	vadd.f32 v0, v1;
	_ =	sdelay $0x1  }
0x26: {  	v0 =	vadd.f32 v2, v0;
	_ =	sdelay $0x1  }
0x27: {  	s15 =	simm.s32 $0x0;
	s16 =	simm.s32 $0x3010;
	v0 =	vmul.f32 $5.000000000e-01, v0  }
.LBB2_2:
0x28: {  	s15 =	sadd.s32 $0x2, s15;
	s13 =	sadd.s32 $0x20, s13;
	s14 =	sadd.s32 $0x20, s14  }
0x29: {  	p0 =	slt.u32 s15, $0x7E;
	[tilespmem:s16+$0x0] =	vst v0;
	s16 =	smov.u32 s14  }
0x2a: {  	v0 =	vld [tilespmem:s13+$0xFFFFF7F0]  }
0x2b: {  	v1 =	vld [tilespmem:s13+$0xFFFFFFF0];
	_ =	sdelay $0x1  }
0x2c: {  	v2 =	vld [tilespmem:s13+$0x7F0];
	_ =	sdelay $0x2  }
0x2d: {  	v0 =	vmul.f32 v0, v0;
	v1 =	vmul.f32 v1, v1;
	_ =	sdelay $0x1  }
0x2e: {  	v0 =	vadd.f32 v1, v0;
	v1 =	vmul.f32 v2, v2;
	_ =	sdelay $0x1  }
0x2f: {  	v0 =	vadd.f32 v1, v0;
	_ =	sdelay $0x1  }
0x30: {  	v0 =	vmul.f32 $5.000000000e-01, v0;
	_ =	sdelay $0x1  }
0x31: {  	[tilespmem:s14+$0xFFFFFFF0] =	vst v0  }
0x32: {  	v0 =	vld [tilespmem:s13+$0x0]  }
0x33: {  	v1 =	vld [tilespmem:s13+$0xFFFFF800]  }
0x34: {  	v2 =	vld [tilespmem:s13+$0x800];
	_ =	sdelay $0x2  }
0x35: {  	v0 =	vmul.f32 v0, v0  }
0x36: {  	v1 =	vmul.f32 v1, v1  }
0x37: {  	v2 =	vmul.f32 v2, v2  }
.Ltmp0:
0x38: {  	v0 =	vadd.f32 v0, v1;
	(pc) =	sbr.rel @p0 .LBB2_2-.Ltmp0, $3  }
0x39: {  	_ = 	snop  }
0x3a: {  	v0 =	vadd.f32 v2, v0;
	_ =	sdelay $0x1  }
0x3b: {  	s12 =	simm.s32 $0x0;
	v0 =	vmul.f32 $5.000000000e-01, v0  }
0x3c: {  	_ = 	snop  }
0x3d: {  	[tilespmem:s16+$0x0] =	vst v0  }
.LBB2_4:
0x3e: {  	s13 =	sshll.u32 s12, $0x3  }
0x3f: {  	s14 =	sadd.s32 s4, s13  }
0x40: {  	v0 =	vmov s14  }
0x41: {  	v0 =	vshrl.u32 v0, $0x3  }
0x42: {  	v0 =	vshll.u32 v0, $0x3  }
0x43: {  	v0 =	vbroadcast v0, $0x0;
	_ =	sdelay $0x1  }
0x44: {  	v1 =	vadd.s32 $0x800, v0  }
0x45: {  	v3 =	vor.u32 $0x1, v0  }
0x46: {  	v2 =	vadd.s32 $0x1000, v0  }
0x47: {  	v4 =	vadd.s32 $0x801, v0  }
0x48: {  	v5 =	vadd.s32 $0x1001, v0;
	v11 =	vld.idx.msk [tilespmem:v0+s2+$0x0], $0xffff  }
0x49: {  	v13 =	vld.idx.msk [tilespmem:v1+s2+$0x0], $0xffff;
	v1 =	vor.u32 $0x2, v0  }
0x4a: {  	v15 =	vld.idx.msk [tilespmem:v3+s2+$0x0], $0xffff;
	v3 =	vadd.s32 $0x803, v0  }
0x4b: {  	v14 =	vld.idx.msk [tilespmem:v2+s2+$0x0], $0xffff;
	v2 =	vor.u32 $0x3, v0  }
0x4c: {  	v16 =	vld.idx.msk [tilespmem:v4+s2+$0x0], $0xffff;
	v4 =	vor.u32 $0x4, v0  }
0x4d: {  	v18 =	vld.idx.msk [tilespmem:v5+s2+$0x0], $0xffff;
	v5 =	vadd.s32 $0x804, v0  }
0x4e: {  	v19 =	vld.idx.msk [tilespmem:v1+s2+$0x0], $0xffff;
	v1 =	vadd.s32 $0x1004, v0  }
0x4f: {  	[tilespmem:$0x1FDD0] =	vst v11;
	v20 =	vld.idx.msk [tilespmem:v3+s2+$0x0], $0xffff;
	v3 =	vor.u32 $0x6, v0  }
0x50: {  	v17 =	vld.idx.msk [tilespmem:v2+s2+$0x0], $0xffff;
	[tilespmem:$0x1FDE0] =	vst v13  }
0x51: {  	v2 =	vor.u32 $0x5, v0;
	v7 =	vld.idx.msk [tilespmem:v4+s2+$0x0], $0xffff;
	[tilespmem:$0x1FDF0] =	vst v14  }
0x52: {  	v4 =	vadd.s32 $0x806, v0;
	v8 =	vld.idx.msk [tilespmem:v5+s2+$0x0], $0xffff;
	[tilespmem:$0x1FE00] =	vst v15  }
0x53: {  	v5 =	vadd.s32 $0x1006, v0;
	[tilespmem:$0x1FE10] =	vst v16;
	v6 =	vld.idx.msk [tilespmem:v1+s2+$0x0], $0xffff  }
0x54: {  	s15 =	simm.s32 $0x2010;
	[tilespmem:$0x1FE20] =	vst v18;
	v9 =	vld.idx.msk [tilespmem:v3+s2+$0x0], $0xffff  }
0x55: {  	v1 =	vor.u32 $0x7, v0;
	v3 =	vld [tilespmem:s15+$0xFFFFF7F0];
	[tilespmem:$0x1FE30] =	vst v19  }
0x56: {  	v21 =	vsub.f32 $0.0e+00, v11;
	v12 =	vld.idx.msk [tilespmem:v2+s2+$0x0], $0xffff;
	v2 =	vadd.s32 $0x807, v0;
	[tilespmem:$0x1FE40] =	vst v17  }
0x57: {  	v22 =	vsub.f32 $0.0e+00, v13;
	v23 =	vsub.f32 $0.0e+00, v14;
	v10 =	vld.idx.msk [tilespmem:v4+s2+$0x0], $0xffff;
	[tilespmem:$0x1FE50] =	vst v20  }
0x58: {  	s14 =	simm.s32 $0x3010;
	v24 =	vsub.f32 $0.0e+00, v15;
	v11 =	vld.idx.msk [tilespmem:v5+s2+$0x0], $0xffff;
	[tilespmem:$0x1FE60] =	vst v7;
	v63 =	vsub.f32 $0.0e+00, v7;
	v7 =	vadd.s32 $0x1005, v0  }
0x59: {  	v25 =	vsub.f32 $0.0e+00, v16;
	v16 =	vsub.f32 $0.0e+00, v18;
	v5 =	vld [tilespmem:s14+$0xFFFFFFF0]  }
0x5a: {  	v18 =	vsub.f32 $0.0e+00, v19;
	v17 =	vsub.f32 $0.0e+00, v17;
	[tilespmem:$0x1FE70] =	vst v8;
	v13 =	vld.idx.msk [tilespmem:v1+s2+$0x0], $0xffff  }
0x5b: {  	v4 =	vadd.s32 $0x1002, v0;
	v62 =	vsub.f32 $0.0e+00, v20;
	v29 =	vsub.f32 $0.0e+00, v8;
	v14 =	vld.idx.msk [tilespmem:v2+s2+$0x0], $0xffff;
	[tilespmem:$0x1FE80] =	vst v6  }
0x5c: {  	v1 =	vadd.s32 $0x802, v0;
	v2 =	vadd.s32 $0x1003, v0;
	v32 =	vsub.f32 $0.0e+00, v9;
	v8 =	vld [tilespmem:s15+$0x7F0];
	[tilespmem:$0x1FE90] =	vst v12  }
0x5d: {  	v30 =	vsub.f32 $0.0e+00, v6;
	v31 =	vsub.f32 $0.0e+00, v12;
	v15 =	vmul.f32 v3, v18;
	v60 =	vld.idx.msk [tilespmem:v7+s2+$0x0], $0xffff;
	[tilespmem:$0x1FEA0] =	vst v9  }
0x5e: {  	v33 =	vsub.f32 $0.0e+00, v10;
	v9 =	vld [tilespmem:s15+$0xFFFFFFF0];
	[tilespmem:$0x1FEB0] =	vst v10;
	v10 =	vmul.f32 v3, v21;
	v38 =	vmul.f32 v3, v32  }
0x5f: {  	v35 =	vsub.f32 $0.0e+00, v11;
	v15 =	vadd.f32 v5, v15;
	v26 =	vmul.f32 v3, v31  }
0x60: {  	v6 =	vadd.s32 $0x805, v0;
	v10 =	vadd.f32 v5, v10;
	v38 =	vadd.f32 v5, v38  }
0x61: {  	v7 =	vadd.s32 $0x1007, v0;
	v59 =	vadd.f32 v5, v26;
	[tilespmem:$0x1FEC0] =	vst v13;
	v34 =	vsub.f32 $0.0e+00, v13  }
0x62: {  	v13 =	vmul.f32 v3, v63;
	v36 =	vsub.f32 $0.0e+00, v14;
	v12 =	vld [tilespmem:s15+$0x0];
	[tilespmem:$0x1FED0] =	vst v11;
	v11 =	vmul.f32 v3, v17  }
0x63: {  	v55 =	vld.idx.msk [tilespmem:v1+s2+$0x0], $0xffff;
	v48 =	vsub.f32 $0.0e+00, v60;
	[tilespmem:$0x1FEE0] =	vst v14;
	v37 =	vmul.f32 v8, v23;
	v44 =	vmul.f32 v8, v35  }
0x64: {  	v14 =	vmul.f32 v3, v34;
	v39 =	vld [tilespmem:s15+$0xFFFFF800];
	v13 =	vadd.f32 v5, v13;
	v40 =	vmul.f32 v9, v29  }
0x65: {  	v42 =	vld [tilespmem:s14+$0x0];
	v43 =	vmul.f32 v9, v22;
	[tilespmem:$0x1FEF0] =	vst v63;
	v46 =	vmul.f32 v9, v33;
	v11 =	vadd.f32 v5, v11  }
0x66: {  	[tilespmem:$0x1FF00] =	vst v62;
	v3 =	vmul.f32 v3, v24;
	v14 =	vadd.f32 v5, v14;
	v53 =	vadd.f32 v13, v40  }
0x67: {  	v20 =	vmul.f32 v9, v62;
	[tilespmem:$0x1FF10] =	vst v17;
	v10 =	vadd.f32 v10, v43;
	v38 =	vadd.f32 v38, v46  }
0x68: {  	v43 =	vld [tilespmem:s15+$0x800];
	v3 =	vadd.f32 v5, v3;
	v5 =	vmul.f32 v9, v36;
	[tilespmem:$0x1FF90] =	vst v60;
	v60 =	vimm.f32 $3.000000010e+38  }
0x69: {  	v58 =	vadd.f32 v11, v20;
	v41 =	vmul.f32 v12, v33;
	v45 =	vmul.f32 v12, v62  }
0x6a: {  	v47 =	vmul.f32 v12, v29;
	v51 =	vadd.f32 v10, v37;
	v61 =	vadd.f32 v38, v44  }
0x6b: {  	v52 =	vmul.f32 v12, v36;
	v50 =	vadd.f32 v14, v5;
	v5 =	vmul.f32 v9, v25  }
0x6c: {  	v44 =	vsub.f32 $0.0e+00, v55;
	v13 =	vmul.f32 v39, v63;
	v11 =	vmul.f32 v39, v17  }
0x6d: {  	[tilespmem:$0x1FF50] =	vst v55;
	v62 =	vld.idx.msk [tilespmem:v2+s2+$0x0], $0xffff;
	v55 =	vimm.f32 $3.000000010e+38;
	v10 =	vmul.f32 v39, v34;
	v56 =	vmul.f32 v39, v21  }
0x6e: {  	v17 =	vld.idx.msk [tilespmem:v6+s2+$0x0], $0xffff;
	v3 =	vadd.f32 v3, v5;
	v2 =	vmul.f32 v9, v44;
	v13 =	vadd.f32 v42, v13  }
0x6f: {  	v6 =	vmul.f32 v12, v22;
	v10 =	vadd.f32 v42, v10;
	v11 =	vadd.f32 v42, v11  }
0x70: {  	v57 =	vld.idx.msk [tilespmem:v4+s2+$0x0], $0xffff;
	v5 =	vmul.f32 v43, v35;
	v4 =	vmul.f32 v43, v30;
	v2 =	vadd.f32 v15, v2  }
0x71: {  	v15 =	vmul.f32 v43, v23;
	v13 =	vadd.f32 v13, v47;
	v1 =	vadd.f32 v10, v52  }
0x72: {  	v47 =	vmul.f32 v39, v32;
	v11 =	vadd.f32 v11, v45;
	v10 =	vadd.f32 v42, v56  }
0x73: {  	v49 =	vsub.f32 $0.0e+00, v62;
	v56 =	vimm.f32 $3.000000010e+38;
	v46 =	vsub.f32 $0.0e+00, v17  }
0x74: {  	v54 =	vadd.f32 v42, v47;
	v4 =	vadd.f32 v13, v4;
	v13 =	vmul.f32 v39, v31  }
0x75: {  	[tilespmem:$0x1FF80] =	vst v57;
	v10 =	vadd.f32 v10, v6;
	v6 =	vmul.f32 v39, v24;
	v47 =	vsub.f32 $0.0e+00, v57  }
0x76: {  	[tilespmem:$0x1FF70] =	vst v17;
	v17 =	vld.idx.msk [tilespmem:v7+s2+$0x0], $0xffff;
	v7 =	vmul.f32 v8, v16;
	v57 =	vimm.f32 $3.000000010e+38;
	v14 =	vadd.f32 v54, v41  }
0x77: {  	v13 =	vadd.f32 v42, v13;
	v6 =	vadd.f32 v42, v6;
	v63 =	vmul.f32 v8, v47  }
0x78: {  	[tilespmem:$0x1FF20] =	vst v21;
	v54 =	vadd.f32 v3, v7;
	v3 =	vmul.f32 v43, v48;
	v7 =	vadd.f32 v10, v15  }
0x79: {  	[tilespmem:$0x1FF30] =	vst v22;
	v10 =	vmul.f32 v9, v46;
	v9 =	vmin.f32 v60, v51;
	v15 =	vmul.f32 v12, v44  }
0x7a: {  	[tilespmem:$0x1FF40] =	vst v18;
	v51 =	vimm.f32 $3.000000010e+38;
	v0 =	vadd.f32 v14, v5;
	v14 =	vmul.f32 v12, v46  }
0x7b: {  	[tilespmem:$0x1FF60] =	vst v24;
	v5 =	vmul.f32 v39, v18;
	v52 =	vsub.f32 $0.0e+00, v17;
	v45 =	vmin.f32 v9, v7  }
0x7c: {  	[tilespmem:$0x1FFA0] =	vst v16;
	v7 =	vmul.f32 v8, v30;
	v9 =	vmin.f32 v60, v54;
	v13 =	vadd.f32 v13, v14  }
0x7d: {  	[tilespmem:$0x1FFB0] =	vst v23;
	v54 =	vimm.f32 $3.000000010e+38;
	v14 =	vadd.f32 v2, v63;
	v2 =	vmul.f32 v8, v49  }
0x7e: {  	[tilespmem:$0x1FFC0] =	vst v62;
	v62 =	vmul.f32 v8, v52;
	v3 =	vadd.f32 v13, v3;
	v13 =	vmul.f32 v43, v49  }
0x7f: {  	[tilespmem:$0x1FFE0] =	vst v25;
	v5 =	vadd.f32 v42, v5;
	v8 =	vmul.f32 v8, v48;
	v63 =	vmul.f32 v12, v25  }
0x80: {  	s16 =	simm.s32 $0x2030;
	s15 =	simm.s32 $0x0;
	[tilespmem:$0x1FFD0] =	vst v17;
	v12 =	vmul.f32 v43, v47;
	v11 =	vadd.f32 v11, v13;
	v13 =	vmul.f32 v43, v52  }
.LBB2_5:
0x81: {  	v16 =	vld [tilespmem:s16+$0xFFFFF7F0]  }
0x82: {  	v20 =	vld [tilespmem:$0x1FFA0]  }
0x83: {  	v17 =	vld [tilespmem:s16+$0x7F0]  }
0x84: {  	v27 =	vld [tilespmem:$0x1FF20]  }
0x85: {  	v25 =	vld [tilespmem:$0x1FF40]  }
0x86: {  	v21 =	vld [tilespmem:$0x1FF10]  }
0x87: {  	v7 =	vadd.f32 v53, v7;
	v2 =	vadd.f32 v58, v2;
	v18 =	vld [tilespmem:s16+$0x0]  }
0x88: {  	v10 =	vadd.f32 v59, v10;
	v19 =	vld [tilespmem:$0x1FFB0];
	v14 =	vmin.f32 v60, v14;
	v5 =	vadd.f32 v5, v15  }
0x89: {  	v23 =	vld [tilespmem:$0x1FEF0];
	v1 =	vadd.f32 v1, v13;
	v7 =	vmin.f32 v57, v7;
	v2 =	vmin.f32 v55, v2  }
0x8a: {  	v59 =	vld [tilespmem:$0x1FF30];
	v8 =	vadd.f32 v10, v8;
	v5 =	vadd.f32 v5, v12;
	v57 =	vmin.f32 v7, v4  }
0x8b: {  	s14 =	sadd.s32 $0x20, s14;
	v26 =	vld [tilespmem:$0x1FFE0];
	v7 =	vmin.f32 v56, v61;
	v55 =	vmin.f32 v2, v11;
	v39 =	vmul.f32 v43, v20  }
0x8c: {  	v15 =	vld [tilespmem:s14+$0xFFFFFFF0];
	v60 =	vmin.f32 v14, v5;
	v2 =	vmul.f32 v16, v27;
	v5 =	vmul.f32 v16, v34  }
0x8d: {  	v13 =	vld [tilespmem:s16+$0xFFFFF800];
	v56 =	vmin.f32 v7, v0;
	v0 =	vmul.f32 v16, v25;
	v7 =	vmul.f32 v16, v21  }
0x8e: {  	v4 =	vld [tilespmem:s16+$0xFFFFFFF0];
	v8 =	vmin.f32 v54, v8;
	v10 =	vmul.f32 v17, v19;
	v12 =	vmul.f32 v16, v23  }
0x8f: {  	v22 =	vld [tilespmem:$0x1FF00];
	v14 =	vmul.f32 v16, v32;
	v54 =	vmin.f32 v8, v3;
	v8 =	vmul.f32 v18, v33  }
0x90: {  	v6 =	vadd.f32 v6, v63;
	v63 =	vmul.f32 v18, v26;
	v40 =	vmul.f32 v17, v47  }
0x91: {  	v41 =	vmul.f32 v18, v36;
	v24 =	vmul.f32 v18, v29  }
0x92: {  	v43 =	vld [tilespmem:s16+$0x800];
	v25 =	vmul.f32 v13, v25;
	v6 =	vadd.f32 v6, v39;
	v7 =	vadd.f32 v15, v7  }
0x93: {  	v12 =	vadd.f32 v15, v12;
	v39 =	vmul.f32 v18, v59;
	v61 =	vmul.f32 v4, v59  }
0x94: {  	v5 =	vadd.f32 v15, v5;
	v59 =	vmul.f32 v4, v22;
	v26 =	vmul.f32 v4, v26  }
0x95: {  	v9 =	vmin.f32 v9, v6;
	v6 =	vadd.f32 v50, v62;
	v50 =	vmul.f32 v4, v33  }
0x96: {  	v2 =	vadd.f32 v15, v2;
	v62 =	vmul.f32 v13, v23;
	v23 =	vmul.f32 v13, v34  }
0x97: {  	v11 =	vld [tilespmem:s14+$0x0];
	v38 =	vadd.f32 v15, v0;
	v37 =	vmul.f32 v43, v49;
	v3 =	vmul.f32 v43, v19  }
0x98: {  	v42 =	vmul.f32 v43, v35;
	v19 =	vmul.f32 v17, v20;
	v0 =	vmin.f32 v51, v6  }
0x99: {  	v58 =	vadd.f32 v7, v59;
	v51 =	vmin.f32 v0, v1;
	v1 =	vmul.f32 v4, v29  }
0x9a: {  	v7 =	vmul.f32 v17, v30;
	v6 =	vmul.f32 v17, v35;
	v0 =	vadd.f32 v15, v14  }
0x9b: {  	v28 =	vld [tilespmem:$0x1FF60];
	v14 =	vmul.f32 v18, v22;
	v53 =	vadd.f32 v12, v1;
	v1 =	vmul.f32 v13, v21  }
0x9c: {  	v22 =	vmul.f32 v43, v30;
	v12 =	vadd.f32 v2, v61;
	v61 =	vadd.f32 v11, v62  }
0x9d: {  	v2 =	vmul.f32 v17, v49;
	v0 =	vadd.f32 v0, v50;
	v20 =	vadd.f32 v11, v1  }
0x9e: {  	v1 =	vmul.f32 v16, v31;
	v21 =	vadd.f32 v61, v24;
	v10 =	vadd.f32 v12, v10  }
0x9f: {  	v12 =	vmul.f32 v4, v36;
	v61 =	vadd.f32 v0, v6;
	v0 =	vmul.f32 v13, v27  }
0xa0: {  	v59 =	vadd.f32 v15, v1;
	v1 =	vmul.f32 v16, v28;
	v16 =	vmul.f32 v13, v32  }
0xa1: {  	v6 =	vmul.f32 v13, v28;
	v50 =	vadd.f32 v5, v12;
	v5 =	vadd.f32 v11, v25  }
0xa2: {  	v12 =	vmul.f32 v13, v31;
	v13 =	vadd.f32 v11, v0;
	v16 =	vadd.f32 v11, v16  }
0xa3: {  	v24 =	vmul.f32 v4, v44;
	v15 =	vadd.f32 v15, v1;
	v1 =	vadd.f32 v11, v23  }
0xa4: {  	v6 =	vadd.f32 v11, v6;
	v23 =	vmin.f32 v45, v10;
	v13 =	vadd.f32 v13, v39  }
0xa5: {  	v10 =	vmul.f32 v4, v46;
	v4 =	vadd.f32 v16, v8;
	v1 =	vadd.f32 v1, v41  }
0xa6: {  	s15 =	sadd.s32 $0x2, s15;
	v62 =	vmul.f32 v17, v52;
	v15 =	vadd.f32 v15, v26;
	v16 =	vadd.f32 v20, v14  }
0xa7: {  	p0 =	slt.u32 s15, $0x7E;
	v14 =	vmul.f32 v18, v46;
	v8 =	vmul.f32 v17, v48;
	v17 =	vadd.f32 v11, v12  }
.Ltmp1:
0xa8: {  	v12 =	vmul.f32 v43, v47;
	v11 =	vadd.f32 v38, v24;
	v45 =	vadd.f32 v13, v3;
	(pc) =	sbr.rel @p0 .LBB2_5-.Ltmp1, $4  }
0xa9: {  	v13 =	vmul.f32 v43, v52;
	v0 =	vadd.f32 v4, v42;
	v4 =	vadd.f32 v21, v22  }
0xaa: {  	v17 =	vadd.f32 v17, v14;
	v42 =	vmul.f32 v43, v48;
	v19 =	vadd.f32 v15, v19  }
0xab: {  	v14 =	vadd.f32 v11, v40;
	v15 =	vmul.f32 v18, v44;
	v45 =	vmin.f32 v23, v45  }
0xac: {  	s16 =	sadd.s32 $0x20, s16;
	v11 =	vadd.f32 v16, v37;
	v3 =	vadd.f32 v17, v42;
	v9 =	vmin.f32 v9, v19  }
0xad: {  	v7 =	vadd.f32 v53, v7;
	v53 =	vld [tilespmem:$0x1FFA0]  }
0xae: {  	v2 =	vadd.f32 v58, v2;
	v58 =	vld [tilespmem:$0x1FDD0]  }
0xaf: {  	v10 =	vadd.f32 v59, v10;
	v59 =	vld [tilespmem:$0x1FDE0]  }
0xb0: {  	v14 =	vmin.f32 v60, v14;
	v60 =	vld [tilespmem:$0x1FDF0]  }
0xb1: {  	v6 =	vadd.f32 v6, v63;
	v63 =	vld [tilespmem:$0x1FE20]  }
0xb2: {  	v5 =	vadd.f32 v5, v15;
	v16 =	vld [tilespmem:$0x1FE30]  }
0xb3: {  	v1 =	vadd.f32 v1, v13;
	v17 =	vld [tilespmem:$0x1FF50];
	v32 =	vadd.f32 v45, v45;
	v33 =	vmov s13  }
0xb4: {  	v18 =	vld [tilespmem:$0x1FE40];
	v7 =	vmin.f32 v57, v7;
	v5 =	vadd.f32 v5, v12;
	v2 =	vmin.f32 v55, v2  }
0xb5: {  	v19 =	vld [tilespmem:$0x1FE50];
	v55 =	vmin.f32 v56, v61;
	v8 =	vadd.f32 v10, v8;
	v57 =	vadd.f32 v50, v62  }
0xb6: {  	v61 =	vld [tilespmem:$0x1FE00];
	v4 =	vmin.f32 v7, v4;
	v2 =	vmin.f32 v2, v11;
	v0 =	vmin.f32 v55, v0  }
0xb7: {  	v62 =	vld [tilespmem:$0x1FE10];
	v5 =	vmin.f32 v14, v5;
	v56 =	vmin.f32 v54, v8;
	v2 =	vadd.f32 v2, v2  }
0xb8: {  	v27 =	vld [tilespmem:$0x1FF90];
	v8 =	vmin.f32 v51, v57;
	v4 =	vadd.f32 v4, v4;
	v0 =	vadd.f32 v0, v0  }
0xb9: {  	v20 =	vld [tilespmem:$0x1FF80];
	v15 =	vmul.f32 v43, v53;
	v3 =	vmin.f32 v56, v3;
	v7 =	vmul.f32 v58, v58  }
0xba: {  	v10 =	vmul.f32 v60, v60;
	v1 =	vmin.f32 v8, v1;
	v13 =	vmul.f32 v17, v17;
	v17 =	vld [tilespmem:$0x1FEE0]  }
0xbb: {  	v21 =	vld [tilespmem:$0x1FFC0];
	v12 =	vmul.f32 v63, v63;
	v14 =	vmul.f32 v19, v19;
	v5 =	vadd.f32 v5, v5  }
0xbc: {  	v25 =	vld [tilespmem:$0x1FF70];
	v6 =	vadd.f32 v6, v15;
	v11 =	vmul.f32 v61, v61;
	v8 =	vmul.f32 v62, v62  }
0xbd: {  	v23 =	vld [tilespmem:$0x1FE70];
	v3 =	vadd.f32 v3, v3;
	v1 =	vadd.f32 v1, v1;
	v15 =	vmul.f32 v27, v27  }
0xbe: {  	v24 =	vld [tilespmem:$0x1FE90];
	v6 =	vmin.f32 v9, v6;
	v9 =	vmul.f32 v59, v59;
	v8 =	vadd.f32 v8, v11  }
0xbf: {  	v22 =	vld [tilespmem:$0x1FE60];
	v11 =	vmul.f32 v18, v18;
	v17 =	vmul.f32 v17, v17;
	v6 =	vadd.f32 v6, v6  }
0xc0: {  	v28 =	vld [tilespmem:$0x1FEA0];
	v7 =	vadd.f32 v9, v7;
	v9 =	vmul.f32 v16, v16;
	v8 =	vadd.f32 v12, v8  }
0xc1: {  	v11 =	vadd.f32 v14, v11;
	v12 =	vmul.f32 v21, v21;
	v14 =	vmul.f32 v25, v25;
	v16 =	vld [tilespmem:$0x1FEB0]  }
0xc2: {  	v26 =	vld [tilespmem:$0x1FE80];
	v7 =	vadd.f32 v10, v7;
	v9 =	vadd.f32 v13, v9;
	v10 =	vmul.f32 v20, v20  }
0xc3: {  	v30 =	vld [tilespmem:$0x1FED0];
	v13 =	vmul.f32 v23, v23;
	v11 =	vadd.f32 v12, v11;
	v12 =	vmul.f32 v24, v24  }
0xc4: {  	v29 =	vld [tilespmem:$0x1FEC0];
	v6 =	vadd.f32 v6, v8;
	v9 =	vadd.f32 v10, v9;
	v10 =	vmul.f32 v22, v22  }
0xc5: {  	v31 =	vld [tilespmem:$0x1FFD0];
	v12 =	vadd.f32 v14, v12;
	v14 =	vmul.f32 v28, v28;
	v7 =	vadd.f32 v32, v7  }
0xc6: {  	v6 =	vmax.f32 v6, $0.0e+00;
	v2 =	vadd.f32 v2, v11;
	v16 =	vmul.f32 v16, v16  }
0xc7: {  	v34 =	vld [tilespmem:$0x1FFF0];
	v10 =	vadd.f32 v13, v10;
	v13 =	vmul.f32 v26, v26;
	v12 =	vadd.f32 v15, v12  }
0xc8: {  	v15 =	vmul.f32 v30, v30;
	v7 =	vmax.f32 v7, $0.0e+00;
	v5 =	vadd.f32 v5, v9  }
0xc9: {  	v14 =	vadd.f32 v16, v14;
	v10 =	vadd.f32 v13, v10;
	v13 =	vmul.f32 v29, v29  }
0xca: {  	v2 =	vmax.f32 v2, $0.0e+00;
	v16 =	vmul.f32 v31, v31;
	v3 =	vadd.f32 v3, v12  }
0xcb: {  	(xrf0) =	vmin.scan.msk.f32 $0xffff, v7;
	v14 =	vadd.f32 v15, v14;
	v15 =	vshrl.u32 v33, $0x3;
	v13 =	vadd.f32 v17, v13  }
0xcc: {  	(xrf0) =	vmin.scan.msk.f32 $0xffff, v6;
	v5 =	vmax.f32 v5, $0.0e+00;
	v15 =	vshll.u32 v15, v34;
	v4 =	vadd.f32 v4, v10  }
0xcd: {  	(xrf0) =	vmin.scan.msk.f32 $0xffff, v5;
	v40 =	vmax.f32 v3, $0.0e+00;
	v35 =	vbroadcast v15, $0x0;
	v13 =	vadd.f32 v16, v13  }
0xce: {  	(xrf0) =	vmin.scan.msk.f32 $0xffff, v2;
	v36 =	vadd.s32 $0x1, v15;
	v0 =	vadd.f32 v0, v14;
	v38 =	vmax.f32 v4, $0.0e+00  }
0xcf: {  	v39 =	vadd.s32 $0x2, v15;
	v37 =	vbroadcast v36, $0x0;
	(xrf0) =	vmin.scan.msk.f32 $0xffff, v38;
	v1 =	vadd.f32 v1, v13  }
0xd0: {  	v42 =	vadd.s32 $0x3, v15;
	v41 =	vbroadcast v39, $0x0;
	v0 =	vmax.f32 v0, $0.0e+00;
	(xrf0) =	vmin.scan.msk.f32 $0xffff, v40  }
0xd1: {  	v44 =	vadd.s32 $0x4, v15;
	v4 =	vbroadcast v42, $0x0;
	v43, _, _ =	vpop (xrf0);
	(xrf0) =	vmin.scan.msk.f32 $0xffff, v0;
	v45 =	vmax.f32 v1, $0.0e+00  }
0xd2: {  	v48 =	vadd.s32 $0x5, v15;
	v6 =	vbroadcast v44, $0x0;
	v46 =	vbroadcast v43, $0xF;
	v47, _, _ =	vpop (xrf0);
	(xrf0) =	vmin.scan.msk.f32 $0xffff, v45  }
0xd3: {  	v50 =	vadd.s32 $0x6, v15;
	v7 =	vbroadcast v48, $0x0;
	v49, _, _ =	vpop (xrf0);
	v2 =	vbroadcast v47, $0xF  }
0xd4: {  	v53 =	vadd.s32 $0x7, v15;
	v52 =	vbroadcast v50, $0x0;
	v51, _, _ =	vpop (xrf0);
	v0 =	vbroadcast v49, $0xF;
	[tilespmem:v35+s10+$0x0] =	vst.idx.msk $0x1, v46  }
0xd5: {  	s12 =	sadd.s32 $0x1, s12;
	v56 =	vbroadcast v53, $0x0;
	v55 =	vbroadcast v51, $0xF;
	[tilespmem:v37+s10+$0x0] =	vst.idx.msk $0x1, v2;
	v54, _, _ =	vpop (xrf0)  }
0xd6: {  	p0 =	sne.s32 s12, $0x10;
	[tilespmem:v41+s10+$0x0] =	vst.idx.msk $0x1, v0;
	v57, _, _ =	vpop (xrf0);
	v58 =	vbroadcast v54, $0xF  }
.Ltmp2:
0xd7: {  	[tilespmem:v4+s10+$0x0] =	vst.idx.msk $0x1, v55;
	v59, _, _ =	vpop (xrf0);
	v60 =	vbroadcast v57, $0xF;
	(pc) =	sbr.rel @p0 .LBB2_4-.Ltmp2, $4  }
0xd8: {  	[tilespmem:v6+s10+$0x0] =	vst.idx.msk $0x1, v58;
	v61 =	vbroadcast v59, $0xF;
	v62, _, _ =	vpop (xrf0)  }
0xd9: {  	[tilespmem:v7+s10+$0x0] =	vst.idx.msk $0x1, v60;
	v63 =	vbroadcast v62, $0xF  }
0xda: {  	[tilespmem:v52+s10+$0x0] =	vst.idx.msk $0x1, v61  }
0xdb: {  	[tilespmem:v56+s10+$0x0] =	vst.idx.msk $0x1, v63  }
0xdc: {  	s11 =	sadd.s32 $0x1, s11  }
0xdd: {  	p0 =	sne.s32 s11, s8  }
.Ltmp3:
0xde: {  	_ = 	snop;
	(pc) =	sbr.rel @p0 .LBB2_1-.Ltmp3, $4  }
0xdf: {  	[hbm4b:s7+s2] =	stream.linear.scatter [tilespmem:s10], [sflag:$0x1], $0x80, $0x38;
	[tilespmem:$0x3880] =	vst v63  }
0xe0: {  	_ =	swait.ge [sflag:s3], $0x80  }
0xe1: {  	[sflag:s3] =	ssyncset.done $0x0  }
0xe2: {  	[sflag:s3] =	ssyncadd.s32 $0xFFFFFF80  }
0xe3: {  	_ =	sfence.sel $0x180000  }
0xe4: {  	[bflag:$0x0] =	sbarrier.arrive $0xFFFF  }
0xe5: {  	p0 =	sne.s32 s0, $0x0;
	_ =	strace $0x90000047  }
0xe6: {  	s0 =	sadd.s32 @!p0 $0x100000, s1;
	[bflag:$0x2] =	sbarrier.arrive $0xFFFF  }
0xe7: {  	[sflag:s0] =	ssyncadd.tile.s32 @!p0 $0x1;
	_ =	shalt  }
.Lfunc_end2:
_tile_overlayer_lowered:
.L_overlay_start_2:
0xe8: {  	(tag) =	ssettag $0x2  }
0xe9: {  	s0 =	rddreg [dreg:$0x0];
	s2 =	stileid.u32  }
0xea: {  	s1 =	rddreg [dreg:$0x1];
	p0 =	sne.s32 s2, $0x0  }
0xeb: {  	s3 =	rddreg [dreg:$0x2];
	[bflag:$0x3] =	sbarrier.arrive $0xFFFF;
	s2 =	simm.s32 @!p0 $0x1C01  }
0xec: {  	[timem:s3], [sflag:s2] =	dma.local @!p0 [hbm:s0], s1  }
0xed: {  	s0 =	simm.s32 @!p0 $0x1  }
0xee: {  	_ =	swait.ge @!p0 [sflag:s0], s1  }
0xef: {  	s1 =	ssub.s32 @!p0 $0x0, s1;
	[sflag:s0] =	ssyncset.done @!p0 $0x0  }
0xf0: {  	[sflag:s0] =	ssyncadd.s32 @!p0 s1  }
0xf1: {  	[bflag:$0x3] =	sbarrier.arrive $0xFFFF  }
0xf2: {  	_ =	shalt  }

</sc_bundles>
